<compile_context>
chip_gen: v7x
topology: tpu7x:2x2x1
jax: 0.10.2.dev20260603
libtpu: 0.0.44.dev20260713+nightly
codegen_flags: <defaults>
</compile_context>

<pallas_src>
import functools

import jax
import jax.numpy as jnp
from jax import lax
from jax.experimental import pallas as pl
from jax.experimental.pallas import tpu as pltpu
from jax.experimental.pallas import tpu_sc as plsc

NC = 2
NS = 16
NW = NC * NS

C = 4000
STAGE = 10000


def _gather_sc(rx, ry, rz, idx_i, idx_j):
    E = idx_i.shape[0]
    n = rx.shape[0]
    per_w = E // NW
    n_chunks = per_w // C
    half = n_chunks // 2
    mesh = plsc.VectorSubcoreMesh(core_axis_name="c", subcore_axis_name="s")

    buf = lambda: pltpu.VMEM((C,), jnp.float32)
    ibuf = lambda: pltpu.VMEM((C,), jnp.int32)

    @functools.partial(
        pl.kernel,
        mesh=mesh,
        compiler_params=pltpu.CompilerParams(use_tc_tiling_on_sc=False),
        out_type=tuple(
            jax.ShapeDtypeStruct((E,), jnp.float32) for _ in range(6)
        ),
        scratch_types=(
            [ibuf(), ibuf()] + [buf() for _ in range(6)]
            + [ibuf(), ibuf()] + [buf() for _ in range(6)]
            + [
                pltpu.VMEM_SHARED((n,), jnp.float32),
                pltpu.VMEM_SHARED((n,), jnp.float32),
                pltpu.VMEM_SHARED((n,), jnp.float32),
                pltpu.SemaphoreType.DMA,
                pltpu.SemaphoreType.DMA,
            ]
        ),
    )
    def k(rx_h, ry_h, rz_h, ii_h, jj_h,
          ix_h, iy_h, iz_h, jx_h, jy_h, jz_h, *bufs):
        a = bufs[0:8]
        b = bufs[8:16]
        rx_sp, ry_sp, rz_sp, sem_a, sem_b = bufs[16:21]
        sid = lax.axis_index("s")
        wid = sid * NC + lax.axis_index("c")

        @pl.when(sid < n // STAGE)
        def _():
            sbase = sid * STAGE
            pltpu.sync_copy(rx_h.at[pl.ds(sbase, STAGE)],
                            rx_sp.at[pl.ds(sbase, STAGE)])
            pltpu.sync_copy(ry_h.at[pl.ds(sbase, STAGE)],
                            ry_sp.at[pl.ds(sbase, STAGE)])
            pltpu.sync_copy(rz_h.at[pl.ds(sbase, STAGE)],
                            rz_sp.at[pl.ds(sbase, STAGE)])

        plsc.subcore_barrier()

        def fire(t, s, sem):
            ii_v, jj_v = s[0], s[1]
            base = wid * per_w + t * C
            pltpu.sync_copy(ii_h.at[pl.ds(base, C)], ii_v)
            pltpu.sync_copy(jj_h.at[pl.ds(base, C)], jj_v)
            return [
                pltpu.async_copy(rx_sp.at[ii_v], s[2], sem),
                pltpu.async_copy(ry_sp.at[ii_v], s[3], sem),
                pltpu.async_copy(rz_sp.at[ii_v], s[4], sem),
                pltpu.async_copy(rx_sp.at[jj_v], s[5], sem),
                pltpu.async_copy(ry_sp.at[jj_v], s[6], sem),
                pltpu.async_copy(rz_sp.at[jj_v], s[7], sem),
            ]

        def finish(t, s, cps):
            for cp in cps:
                cp.wait()
            base = wid * per_w + t * C
            pltpu.sync_copy(s[2], ix_h.at[pl.ds(base, C)])
            pltpu.sync_copy(s[3], iy_h.at[pl.ds(base, C)])
            pltpu.sync_copy(s[4], iz_h.at[pl.ds(base, C)])
            pltpu.sync_copy(s[5], jx_h.at[pl.ds(base, C)])
            pltpu.sync_copy(s[6], jy_h.at[pl.ds(base, C)])
            pltpu.sync_copy(s[7], jz_h.at[pl.ds(base, C)])

        cps0 = fire(0, a, sem_a)

        def body(u, carry):
            t_a = u * 2
            cps_b = fire(t_a + 1, b, sem_b)
            finish(t_a, a, cps0)

            @pl.when(u + 1 < half)
            def _():
                fire(t_a + 2, a, sem_a)

            finish(t_a + 1, b, cps_b)
            return carry

        lax.fori_loop(0, half, body, 0)

    return k(rx, ry, rz, idx_i, idx_j)


def _combine_body(ax_r, ay_r, az_r, bx_r, by_r, bz_r, ox_r, oy_r, oz_r,
                  cx_r, cy_r, cz_r):
    cx_r[...] = bx_r[...] - ax_r[...] + ox_r[...]
    cy_r[...] = by_r[...] - ay_r[...] + oy_r[...]
    cz_r[...] = bz_r[...] - az_r[...] + oz_r[...]


def _combine_tc(pi, pj, off):
    rows = pi[0].shape[0]
    br = 2000
    grid = rows // br
    spec = pl.BlockSpec((br, 128), lambda i: (i, 0))
    one = jax.ShapeDtypeStruct((rows, 128), jnp.float32)
    return pl.pallas_call(
        _combine_body,
        out_shape=(one, one, one),
        grid=(grid,),
        in_specs=[spec] * 9,
        out_specs=(spec, spec, spec),
    )(*pi, *pj, *off)


def kernel(R, offsets, idx_i, idx_j):
    E = idx_i.shape[0]
    rows = E // 128
    ix, iy, iz, jx, jy, jz = _gather_sc(
        R[:, 0], R[:, 1], R[:, 2],
        idx_i.astype(jnp.int32), idx_j.astype(jnp.int32))
    pi = [a.reshape(rows, 128) for a in (ix, iy, iz)]
    pj = [a.reshape(rows, 128) for a in (jx, jy, jz)]
    off = [offsets[:, c].reshape(rows, 128) for c in range(3)]
    cx, cy, cz = _combine_tc(pi, pj, off)
    return jnp.stack([cx.reshape(E), cy.reshape(E), cz.reshape(E)], axis=1)

# --- scband reference (transcript-rebuilt; emitter-appended) ---
"""Pipeline reference for scband-pairwise-distances-ipu-25598005084560 (READ-ONLY COPY).

The authoritative reference and input builder live on the scoring server;
editing this copy changes nothing except your own understanding.
"""

import jax, jax.numpy as jnp
import numpy as np

N_NODES = 100000
N_EDGES = 6400000

def setup_inputs(seed: int = 0) -> dict:
    key = jax.random.key(seed)
    k1, k2, k3, k4 = jax.random.split(key, 4)
    R = jax.random.normal(k1, (N_NODES, 3), dtype=jnp.float32)
    offsets = jax.random.normal(k2, (N_EDGES, 3), dtype=jnp.float32)
    idx_i = jax.random.randint(k3, (N_EDGES,), 0, N_NODES, dtype=jnp.int64 if jax.config.jax_enable_x64 else jnp.int32)
    idx_j = jax.random.randint(k4, (N_EDGES,), 0, N_NODES, dtype=jnp.int64 if jax.config.jax_enable_x64 else jnp.int32)
    return {"R": R, "offsets": offsets, "idx_i": idx_i, "idx_j": idx_j}

def reference(R, offsets, idx_i, idx_j):
    # torch.gather(R, 0, idx.unsqueeze(1).expand(E, 3)) == row gather R[idx]
    pos_i = jnp.take(R, idx_i, axis=0)
    pos_j = jnp.take(R, idx_j, axis=0)
    Rij = pos_j - pos_i + offsets
    return Rij

if __name__ == "__main__":
    import jax
    _d = setup_inputs()
    print(jax.jit(kernel)(*tuple(_d.values())))

</pallas_src>

<mosaic_0001>
#map = affine_map<(d0, d1) -> (0)>
module attributes {stable_mosaic.version = 14 : i64} {
  func.func @k(%arg0: i32, %arg1: i32, %arg2: memref<100000xf32, #tpu.memory_space<hbm>>, %arg3: memref<100000xf32, #tpu.memory_space<hbm>>, %arg4: memref<100000xf32, #tpu.memory_space<hbm>>, %arg5: memref<6400000xi32, #tpu.memory_space<hbm>>, %arg6: memref<6400000xi32, #tpu.memory_space<hbm>>, %arg7: memref<6400000xf32, #tpu.memory_space<hbm>>, %arg8: memref<6400000xf32, #tpu.memory_space<hbm>>, %arg9: memref<6400000xf32, #tpu.memory_space<hbm>>, %arg10: memref<6400000xf32, #tpu.memory_space<hbm>>, %arg11: memref<6400000xf32, #tpu.memory_space<hbm>>, %arg12: memref<6400000xf32, #tpu.memory_space<hbm>>, %arg13: memref<4000xi32, #tpu.memory_space<vmem>>, %arg14: memref<4000xi32, #tpu.memory_space<vmem>>, %arg15: memref<4000xf32, #tpu.memory_space<vmem>>, %arg16: memref<4000xf32, #tpu.memory_space<vmem>>, %arg17: memref<4000xf32, #tpu.memory_space<vmem>>, %arg18: memref<4000xf32, #tpu.memory_space<vmem>>, %arg19: memref<4000xf32, #tpu.memory_space<vmem>>, %arg20: memref<4000xf32, #tpu.memory_space<vmem>>, %arg21: memref<4000xi32, #tpu.memory_space<vmem>>, %arg22: memref<4000xi32, #tpu.memory_space<vmem>>, %arg23: memref<4000xf32, #tpu.memory_space<vmem>>, %arg24: memref<4000xf32, #tpu.memory_space<vmem>>, %arg25: memref<4000xf32, #tpu.memory_space<vmem>>, %arg26: memref<4000xf32, #tpu.memory_space<vmem>>, %arg27: memref<4000xf32, #tpu.memory_space<vmem>>, %arg28: memref<4000xf32, #tpu.memory_space<vmem>>, %arg29: memref<100000xf32, #tpu.memory_space<vmem_shared>>, %arg30: memref<100000xf32, #tpu.memory_space<vmem_shared>>, %arg31: memref<100000xf32, #tpu.memory_space<vmem_shared>>, %arg32: memref<!tpu.dma_semaphore, #tpu.memory_space<semaphore_mem>>, %arg33: memref<!tpu.dma_semaphore, #tpu.memory_space<semaphore_mem>>) attributes {dimension_semantics = [#tpu.dimension_semantics<core_parallel>, #tpu.dimension_semantics<subcore_parallel>], iteration_bounds = array<i64: 2, 16>, scalar_prefetch = 0 : i64, scratch_operands = 21 : i64, tpu.core_type = #tpu.core_type<sc_vector_subcore>, window_params = [{transform_indices = #map}, {transform_indices = #map}, {transform_indices = #map}, {transform_indices = #map}, {transform_indices = #map}, {transform_indices = #map}, {transform_indices = #map}, {transform_indices = #map}, {transform_indices = #map}, {transform_indices = #map}, {transform_indices = #map}]} {
    %mul3A = arith.constant 2 : i32
    %mul3A_0 = arith.muli %arg1, %mul3A : i32
    %add3A = arith.addi %mul3A_0, %arg0 : i32
    %lt3A = arith.constant 10 : i32
    %lt3A_1 = arith.cmpi slt, %arg1, %lt3A : i32
    %convert_element_type3A = arith.extui %lt3A_1 : i1 to i32
    %cond3A = arith.constant 0 : i32
    %cond3A_2 = arith.cmpi ne, %convert_element_type3A, %cond3A : i32
    scf.if %cond3A_2 {
      %mul3A_23 = arith.constant 10000 : i32
      %mul3A_24 = arith.muli %arg1, %mul3A_23 : i32
      "tpu.region"() ({
        %run_scoped3A = tpu.sem_alloc : memref<!tpu.dma_semaphore, #tpu.memory_space<semaphore_mem>>
        %dma_start3A_25 = tpu.memref_slice %arg29[%mul3A_24] : memref<100000xf32, #tpu.memory_space<vmem_shared>> -> memref<10000xf32, #tpu.memory_space<vmem_shared>>
        %dma_start3A_26 = tpu.memref_slice %arg2[%mul3A_24] : memref<100000xf32, #tpu.memory_space<hbm>> -> memref<10000xf32, #tpu.memory_space<hbm>>
        tpu.enqueue_dma source(%dma_start3A_26 : memref<10000xf32, #tpu.memory_space<hbm>>) target(%dma_start3A_25 : memref<10000xf32, #tpu.memory_space<vmem_shared>>) target_semaphore(%run_scoped3A : memref<!tpu.dma_semaphore, #tpu.memory_space<semaphore_mem>>)
        %dma_wait3A = tpu.memref_slice %arg29[%mul3A_24] : memref<100000xf32, #tpu.memory_space<vmem_shared>> -> memref<10000xf32, #tpu.memory_space<vmem_shared>>
        %dma_wait3A_27 = tpu.memref_slice %arg2[%mul3A_24] : memref<100000xf32, #tpu.memory_space<hbm>> -> memref<10000xf32, #tpu.memory_space<hbm>>
        tpu.wait_dma2 semaphore(%run_scoped3A : memref<!tpu.dma_semaphore, #tpu.memory_space<semaphore_mem>>) src(%dma_wait3A_27 : memref<10000xf32, #tpu.memory_space<hbm>>) dst(%dma_wait3A : memref<10000xf32, #tpu.memory_space<vmem_shared>>)
        tpu.yield
      }) : () -> ()
      "tpu.region"() ({
        %run_scoped3A = tpu.sem_alloc : memref<!tpu.dma_semaphore, #tpu.memory_space<semaphore_mem>>
        %dma_start3A_25 = tpu.memref_slice %arg30[%mul3A_24] : memref<100000xf32, #tpu.memory_space<vmem_shared>> -> memref<10000xf32, #tpu.memory_space<vmem_shared>>
        %dma_start3A_26 = tpu.memref_slice %arg3[%mul3A_24] : memref<100000xf32, #tpu.memory_space<hbm>> -> memref<10000xf32, #tpu.memory_space<hbm>>
        tpu.enqueue_dma source(%dma_start3A_26 : memref<10000xf32, #tpu.memory_space<hbm>>) target(%dma_start3A_25 : memref<10000xf32, #tpu.memory_space<vmem_shared>>) target_semaphore(%run_scoped3A : memref<!tpu.dma_semaphore, #tpu.memory_space<semaphore_mem>>)
        %dma_wait3A = tpu.memref_slice %arg30[%mul3A_24] : memref<100000xf32, #tpu.memory_space<vmem_shared>> -> memref<10000xf32, #tpu.memory_space<vmem_shared>>
        %dma_wait3A_27 = tpu.memref_slice %arg3[%mul3A_24] : memref<100000xf32, #tpu.memory_space<hbm>> -> memref<10000xf32, #tpu.memory_space<hbm>>
        tpu.wait_dma2 semaphore(%run_scoped3A : memref<!tpu.dma_semaphore, #tpu.memory_space<semaphore_mem>>) src(%dma_wait3A_27 : memref<10000xf32, #tpu.memory_space<hbm>>) dst(%dma_wait3A : memref<10000xf32, #tpu.memory_space<vmem_shared>>)
        tpu.yield
      }) : () -> ()
      "tpu.region"() ({
        %run_scoped3A = tpu.sem_alloc : memref<!tpu.dma_semaphore, #tpu.memory_space<semaphore_mem>>
        %dma_start3A_25 = tpu.memref_slice %arg31[%mul3A_24] : memref<100000xf32, #tpu.memory_space<vmem_shared>> -> memref<10000xf32, #tpu.memory_space<vmem_shared>>
        %dma_start3A_26 = tpu.memref_slice %arg4[%mul3A_24] : memref<100000xf32, #tpu.memory_space<hbm>> -> memref<10000xf32, #tpu.memory_space<hbm>>
        tpu.enqueue_dma source(%dma_start3A_26 : memref<10000xf32, #tpu.memory_space<hbm>>) target(%dma_start3A_25 : memref<10000xf32, #tpu.memory_space<vmem_shared>>) target_semaphore(%run_scoped3A : memref<!tpu.dma_semaphore, #tpu.memory_space<semaphore_mem>>)
        %dma_wait3A = tpu.memref_slice %arg31[%mul3A_24] : memref<100000xf32, #tpu.memory_space<vmem_shared>> -> memref<10000xf32, #tpu.memory_space<vmem_shared>>
        %dma_wait3A_27 = tpu.memref_slice %arg4[%mul3A_24] : memref<100000xf32, #tpu.memory_space<hbm>> -> memref<10000xf32, #tpu.memory_space<hbm>>
        tpu.wait_dma2 semaphore(%run_scoped3A : memref<!tpu.dma_semaphore, #tpu.memory_space<semaphore_mem>>) src(%dma_wait3A_27 : memref<10000xf32, #tpu.memory_space<hbm>>) dst(%dma_wait3A : memref<10000xf32, #tpu.memory_space<vmem_shared>>)
        tpu.yield
      }) : () -> ()
    } else {
    }
    %barrier3A = arith.constant 0 : index
    tpu.barrier barrier_id(%barrier3A)
    %mul3A_3 = arith.constant 200000 : i32
    %mul3A_4 = arith.muli %add3A, %mul3A_3 : i32
    %add3A_5 = arith.constant 0 : i32
    %add3A_6 = arith.addi %mul3A_4, %add3A_5 : i32
    "tpu.region"() ({
      %run_scoped3A = tpu.sem_alloc : memref<!tpu.dma_semaphore, #tpu.memory_space<semaphore_mem>>
      %dma_start3A_23 = tpu.memref_slice %arg5[%add3A_6] : memref<6400000xi32, #tpu.memory_space<hbm>> -> memref<4000xi32, #tpu.memory_space<hbm>>
      %dma_start3A_24 = tpu.memref_slice %arg5[%add3A_6] : memref<6400000xi32, #tpu.memory_space<hbm>> -> memref<4000xi32, #tpu.memory_space<hbm>>
      tpu.enqueue_dma source(%dma_start3A_24 : memref<4000xi32, #tpu.memory_space<hbm>>) target(%arg13 : memref<4000xi32, #tpu.memory_space<vmem>>) target_semaphore(%run_scoped3A : memref<!tpu.dma_semaphore, #tpu.memory_space<semaphore_mem>>)
      %dma_wait3A = tpu.memref_slice %arg5[%add3A_6] : memref<6400000xi32, #tpu.memory_space<hbm>> -> memref<4000xi32, #tpu.memory_space<hbm>>
      %dma_wait3A_25 = tpu.memref_slice %arg5[%add3A_6] : memref<6400000xi32, #tpu.memory_space<hbm>> -> memref<4000xi32, #tpu.memory_space<hbm>>
      tpu.wait_dma2 semaphore(%run_scoped3A : memref<!tpu.dma_semaphore, #tpu.memory_space<semaphore_mem>>) src(%dma_wait3A_25 : memref<4000xi32, #tpu.memory_space<hbm>>) dst(%arg13 : memref<4000xi32, #tpu.memory_space<vmem>>)
      tpu.yield
    }) : () -> ()
    "tpu.region"() ({
      %run_scoped3A = tpu.sem_alloc : memref<!tpu.dma_semaphore, #tpu.memory_space<semaphore_mem>>
      %dma_start3A_23 = tpu.memref_slice %arg6[%add3A_6] : memref<6400000xi32, #tpu.memory_space<hbm>> -> memref<4000xi32, #tpu.memory_space<hbm>>
      %dma_start3A_24 = tpu.memref_slice %arg6[%add3A_6] : memref<6400000xi32, #tpu.memory_space<hbm>> -> memref<4000xi32, #tpu.memory_space<hbm>>
      tpu.enqueue_dma source(%dma_start3A_24 : memref<4000xi32, #tpu.memory_space<hbm>>) target(%arg14 : memref<4000xi32, #tpu.memory_space<vmem>>) target_semaphore(%run_scoped3A : memref<!tpu.dma_semaphore, #tpu.memory_space<semaphore_mem>>)
      %dma_wait3A = tpu.memref_slice %arg6[%add3A_6] : memref<6400000xi32, #tpu.memory_space<hbm>> -> memref<4000xi32, #tpu.memory_space<hbm>>
      %dma_wait3A_25 = tpu.memref_slice %arg6[%add3A_6] : memref<6400000xi32, #tpu.memory_space<hbm>> -> memref<4000xi32, #tpu.memory_space<hbm>>
      tpu.wait_dma2 semaphore(%run_scoped3A : memref<!tpu.dma_semaphore, #tpu.memory_space<semaphore_mem>>) src(%dma_wait3A_25 : memref<4000xi32, #tpu.memory_space<hbm>>) dst(%arg14 : memref<4000xi32, #tpu.memory_space<vmem>>)
      tpu.yield
    }) : () -> ()
    %dma_start3A = arith.constant 0 : i32
    %dma_start3A_7 = tpu.memref_slice %arg29[%dma_start3A] : memref<100000xf32, #tpu.memory_space<vmem_shared>> -> memref<100000xf32, #tpu.memory_space<vmem_shared>>
    tpu.enqueue_indirect_dma source(%dma_start3A_7 : memref<100000xf32, #tpu.memory_space<vmem_shared>>) target(%arg15 : memref<4000xf32, #tpu.memory_space<vmem>>) offsets(%arg13 : memref<4000xi32, #tpu.memory_space<vmem>>) semaphore(%arg32 : memref<!tpu.dma_semaphore, #tpu.memory_space<semaphore_mem>>)
    %dma_start3A_8 = arith.constant 0 : i32
    %dma_start3A_9 = tpu.memref_slice %arg30[%dma_start3A_8] : memref<100000xf32, #tpu.memory_space<vmem_shared>> -> memref<100000xf32, #tpu.memory_space<vmem_shared>>
    tpu.enqueue_indirect_dma source(%dma_start3A_9 : memref<100000xf32, #tpu.memory_space<vmem_shared>>) target(%arg16 : memref<4000xf32, #tpu.memory_space<vmem>>) offsets(%arg13 : memref<4000xi32, #tpu.memory_space<vmem>>) semaphore(%arg32 : memref<!tpu.dma_semaphore, #tpu.memory_space<semaphore_mem>>)
    %dma_start3A_10 = arith.constant 0 : i32
    %dma_start3A_11 = tpu.memref_slice %arg31[%dma_start3A_10] : memref<100000xf32, #tpu.memory_space<vmem_shared>> -> memref<100000xf32, #tpu.memory_space<vmem_shared>>
    tpu.enqueue_indirect_dma source(%dma_start3A_11 : memref<100000xf32, #tpu.memory_space<vmem_shared>>) target(%arg17 : memref<4000xf32, #tpu.memory_space<vmem>>) offsets(%arg13 : memref<4000xi32, #tpu.memory_space<vmem>>) semaphore(%arg32 : memref<!tpu.dma_semaphore, #tpu.memory_space<semaphore_mem>>)
    %dma_start3A_12 = arith.constant 0 : i32
    %dma_start3A_13 = tpu.memref_slice %arg29[%dma_start3A_12] : memref<100000xf32, #tpu.memory_space<vmem_shared>> -> memref<100000xf32, #tpu.memory_space<vmem_shared>>
    tpu.enqueue_indirect_dma source(%dma_start3A_13 : memref<100000xf32, #tpu.memory_space<vmem_shared>>) target(%arg18 : memref<4000xf32, #tpu.memory_space<vmem>>) offsets(%arg14 : memref<4000xi32, #tpu.memory_space<vmem>>) semaphore(%arg32 : memref<!tpu.dma_semaphore, #tpu.memory_space<semaphore_mem>>)
    %dma_start3A_14 = arith.constant 0 : i32
    %dma_start3A_15 = tpu.memref_slice %arg30[%dma_start3A_14] : memref<100000xf32, #tpu.memory_space<vmem_shared>> -> memref<100000xf32, #tpu.memory_space<vmem_shared>>
    tpu.enqueue_indirect_dma source(%dma_start3A_15 : memref<100000xf32, #tpu.memory_space<vmem_shared>>) target(%arg19 : memref<4000xf32, #tpu.memory_space<vmem>>) offsets(%arg14 : memref<4000xi32, #tpu.memory_space<vmem>>) semaphore(%arg32 : memref<!tpu.dma_semaphore, #tpu.memory_space<semaphore_mem>>)
    %dma_start3A_16 = arith.constant 0 : i32
    %dma_start3A_17 = tpu.memref_slice %arg31[%dma_start3A_16] : memref<100000xf32, #tpu.memory_space<vmem_shared>> -> memref<100000xf32, #tpu.memory_space<vmem_shared>>
    tpu.enqueue_indirect_dma source(%dma_start3A_17 : memref<100000xf32, #tpu.memory_space<vmem_shared>>) target(%arg20 : memref<4000xf32, #tpu.memory_space<vmem>>) offsets(%arg14 : memref<4000xi32, #tpu.memory_space<vmem>>) semaphore(%arg32 : memref<!tpu.dma_semaphore, #tpu.memory_space<semaphore_mem>>)
    %scan3A = arith.constant 0 : i32
    %scan3A_18 = arith.constant 0 : i32
    %scan3A_19 = arith.constant 25 : i32
    %scan3A_20 = arith.addi %scan3A_18, %scan3A_19 : i32
    %scan3A_21 = arith.constant 1 : i32
    scf.for %scan3A_23 = %scan3A_18 to %scan3A_20 step %scan3A_21  : i32 {
      %mul3A_24 = arith.constant 2 : i32
      %mul3A_25 = arith.muli %scan3A_23, %mul3A_24 : i32
      %add3A_26 = arith.constant 1 : i32
      %add3A_27 = arith.addi %mul3A_25, %add3A_26 : i32
      %mul3A_28 = arith.constant 200000 : i32
      %mul3A_29 = arith.muli %add3A, %mul3A_28 : i32
      %mul3A_30 = arith.constant 4000 : i32
      %mul3A_31 = arith.muli %add3A_27, %mul3A_30 : i32
      %add3A_32 = arith.addi %mul3A_29, %mul3A_31 : i32
      "tpu.region"() ({
        %run_scoped3A = tpu.sem_alloc : memref<!tpu.dma_semaphore, #tpu.memory_space<semaphore_mem>>
        %dma_start3A_87 = tpu.memref_slice %arg5[%add3A_32] : memref<6400000xi32, #tpu.memory_space<hbm>> -> memref<4000xi32, #tpu.memory_space<hbm>>
        %dma_start3A_88 = tpu.memref_slice %arg5[%add3A_32] : memref<6400000xi32, #tpu.memory_space<hbm>> -> memref<4000xi32, #tpu.memory_space<hbm>>
        tpu.enqueue_dma source(%dma_start3A_88 : memref<4000xi32, #tpu.memory_space<hbm>>) target(%arg21 : memref<4000xi32, #tpu.memory_space<vmem>>) target_semaphore(%run_scoped3A : memref<!tpu.dma_semaphore, #tpu.memory_space<semaphore_mem>>)
        %dma_wait3A_89 = tpu.memref_slice %arg5[%add3A_32] : memref<6400000xi32, #tpu.memory_space<hbm>> -> memref<4000xi32, #tpu.memory_space<hbm>>
        %dma_wait3A_90 = tpu.memref_slice %arg5[%add3A_32] : memref<6400000xi32, #tpu.memory_space<hbm>> -> memref<4000xi32, #tpu.memory_space<hbm>>
        tpu.wait_dma2 semaphore(%run_scoped3A : memref<!tpu.dma_semaphore, #tpu.memory_space<semaphore_mem>>) src(%dma_wait3A_90 : memref<4000xi32, #tpu.memory_space<hbm>>) dst(%arg21 : memref<4000xi32, #tpu.memory_space<vmem>>)
        tpu.yield
      }) : () -> ()
      "tpu.region"() ({
        %run_scoped3A = tpu.sem_alloc : memref<!tpu.dma_semaphore, #tpu.memory_space<semaphore_mem>>
        %dma_start3A_87 = tpu.memref_slice %arg6[%add3A_32] : memref<6400000xi32, #tpu.memory_space<hbm>> -> memref<4000xi32, #tpu.memory_space<hbm>>
        %dma_start3A_88 = tpu.memref_slice %arg6[%add3A_32] : memref<6400000xi32, #tpu.memory_space<hbm>> -> memref<4000xi32, #tpu.memory_space<hbm>>
        tpu.enqueue_dma source(%dma_start3A_88 : memref<4000xi32, #tpu.memory_space<hbm>>) target(%arg22 : memref<4000xi32, #tpu.memory_space<vmem>>) target_semaphore(%run_scoped3A : memref<!tpu.dma_semaphore, #tpu.memory_space<semaphore_mem>>)
        %dma_wait3A_89 = tpu.memref_slice %arg6[%add3A_32] : memref<6400000xi32, #tpu.memory_space<hbm>> -> memref<4000xi32, #tpu.memory_space<hbm>>
        %dma_wait3A_90 = tpu.memref_slice %arg6[%add3A_32] : memref<6400000xi32, #tpu.memory_space<hbm>> -> memref<4000xi32, #tpu.memory_space<hbm>>
        tpu.wait_dma2 semaphore(%run_scoped3A : memref<!tpu.dma_semaphore, #tpu.memory_space<semaphore_mem>>) src(%dma_wait3A_90 : memref<4000xi32, #tpu.memory_space<hbm>>) dst(%arg22 : memref<4000xi32, #tpu.memory_space<vmem>>)
        tpu.yield
      }) : () -> ()
      %dma_start3A_33 = arith.constant 0 : i32
      %dma_start3A_34 = tpu.memref_slice %arg29[%dma_start3A_33] : memref<100000xf32, #tpu.memory_space<vmem_shared>> -> memref<100000xf32, #tpu.memory_space<vmem_shared>>
      tpu.enqueue_indirect_dma source(%dma_start3A_34 : memref<100000xf32, #tpu.memory_space<vmem_shared>>) target(%arg23 : memref<4000xf32, #tpu.memory_space<vmem>>) offsets(%arg21 : memref<4000xi32, #tpu.memory_space<vmem>>) semaphore(%arg33 : memref<!tpu.dma_semaphore, #tpu.memory_space<semaphore_mem>>)
      %dma_start3A_35 = arith.constant 0 : i32
      %dma_start3A_36 = tpu.memref_slice %arg30[%dma_start3A_35] : memref<100000xf32, #tpu.memory_space<vmem_shared>> -> memref<100000xf32, #tpu.memory_space<vmem_shared>>
      tpu.enqueue_indirect_dma source(%dma_start3A_36 : memref<100000xf32, #tpu.memory_space<vmem_shared>>) target(%arg24 : memref<4000xf32, #tpu.memory_space<vmem>>) offsets(%arg21 : memref<4000xi32, #tpu.memory_space<vmem>>) semaphore(%arg33 : memref<!tpu.dma_semaphore, #tpu.memory_space<semaphore_mem>>)
      %dma_start3A_37 = arith.constant 0 : i32
      %dma_start3A_38 = tpu.memref_slice %arg31[%dma_start3A_37] : memref<100000xf32, #tpu.memory_space<vmem_shared>> -> memref<100000xf32, #tpu.memory_space<vmem_shared>>
      tpu.enqueue_indirect_dma source(%dma_start3A_38 : memref<100000xf32, #tpu.memory_space<vmem_shared>>) target(%arg25 : memref<4000xf32, #tpu.memory_space<vmem>>) offsets(%arg21 : memref<4000xi32, #tpu.memory_space<vmem>>) semaphore(%arg33 : memref<!tpu.dma_semaphore, #tpu.memory_space<semaphore_mem>>)
      %dma_start3A_39 = arith.constant 0 : i32
      %dma_start3A_40 = tpu.memref_slice %arg29[%dma_start3A_39] : memref<100000xf32, #tpu.memory_space<vmem_shared>> -> memref<100000xf32, #tpu.memory_space<vmem_shared>>
      tpu.enqueue_indirect_dma source(%dma_start3A_40 : memref<100000xf32, #tpu.memory_space<vmem_shared>>) target(%arg26 : memref<4000xf32, #tpu.memory_space<vmem>>) offsets(%arg22 : memref<4000xi32, #tpu.memory_space<vmem>>) semaphore(%arg33 : memref<!tpu.dma_semaphore, #tpu.memory_space<semaphore_mem>>)
      %dma_start3A_41 = arith.constant 0 : i32
      %dma_start3A_42 = tpu.memref_slice %arg30[%dma_start3A_41] : memref<100000xf32, #tpu.memory_space<vmem_shared>> -> memref<100000xf32, #tpu.memory_space<vmem_shared>>
      tpu.enqueue_indirect_dma source(%dma_start3A_42 : memref<100000xf32, #tpu.memory_space<vmem_shared>>) target(%arg27 : memref<4000xf32, #tpu.memory_space<vmem>>) offsets(%arg22 : memref<4000xi32, #tpu.memory_space<vmem>>) semaphore(%arg33 : memref<!tpu.dma_semaphore, #tpu.memory_space<semaphore_mem>>)
      %dma_start3A_43 = arith.constant 0 : i32
      %dma_start3A_44 = tpu.memref_slice %arg31[%dma_start3A_43] : memref<100000xf32, #tpu.memory_space<vmem_shared>> -> memref<100000xf32, #tpu.memory_space<vmem_shared>>
      tpu.enqueue_indirect_dma source(%dma_start3A_44 : memref<100000xf32, #tpu.memory_space<vmem_shared>>) target(%arg28 : memref<4000xf32, #tpu.memory_space<vmem>>) offsets(%arg22 : memref<4000xi32, #tpu.memory_space<vmem>>) semaphore(%arg33 : memref<!tpu.dma_semaphore, #tpu.memory_space<semaphore_mem>>)
      %dma_wait3A = arith.constant 0 : i32
      %dma_wait3A_45 = tpu.memref_slice %arg29[%dma_wait3A] : memref<100000xf32, #tpu.memory_space<vmem_shared>> -> memref<100000xf32, #tpu.memory_space<vmem_shared>>
      tpu.wait_indirect_dma semaphore(%arg32 : memref<!tpu.dma_semaphore, #tpu.memory_space<semaphore_mem>>) src(%dma_wait3A_45 : memref<100000xf32, #tpu.memory_space<vmem_shared>>) dst(%arg15 : memref<4000xf32, #tpu.memory_space<vmem>>)
      %dma_wait3A_46 = arith.constant 0 : i32
      %dma_wait3A_47 = tpu.memref_slice %arg30[%dma_wait3A_46] : memref<100000xf32, #tpu.memory_space<vmem_shared>> -> memref<100000xf32, #tpu.memory_space<vmem_shared>>
      tpu.wait_indirect_dma semaphore(%arg32 : memref<!tpu.dma_semaphore, #tpu.memory_space<semaphore_mem>>) src(%dma_wait3A_47 : memref<100000xf32, #tpu.memory_space<vmem_shared>>) dst(%arg16 : memref<4000xf32, #tpu.memory_space<vmem>>)
      %dma_wait3A_48 = arith.constant 0 : i32
      %dma_wait3A_49 = tpu.memref_slice %arg31[%dma_wait3A_48] : memref<100000xf32, #tpu.memory_space<vmem_shared>> -> memref<100000xf32, #tpu.memory_space<vmem_shared>>
      tpu.wait_indirect_dma semaphore(%arg32 : memref<!tpu.dma_semaphore, #tpu.memory_space<semaphore_mem>>) src(%dma_wait3A_49 : memref<100000xf32, #tpu.memory_space<vmem_shared>>) dst(%arg17 : memref<4000xf32, #tpu.memory_space<vmem>>)
      %dma_wait3A_50 = arith.constant 0 : i32
      %dma_wait3A_51 = tpu.memref_slice %arg29[%dma_wait3A_50] : memref<100000xf32, #tpu.memory_space<vmem_shared>> -> memref<100000xf32, #tpu.memory_space<vmem_shared>>
      tpu.wait_indirect_dma semaphore(%arg32 : memref<!tpu.dma_semaphore, #tpu.memory_space<semaphore_mem>>) src(%dma_wait3A_51 : memref<100000xf32, #tpu.memory_space<vmem_shared>>) dst(%arg18 : memref<4000xf32, #tpu.memory_space<vmem>>)
      %dma_wait3A_52 = arith.constant 0 : i32
      %dma_wait3A_53 = tpu.memref_slice %arg30[%dma_wait3A_52] : memref<100000xf32, #tpu.memory_space<vmem_shared>> -> memref<100000xf32, #tpu.memory_space<vmem_shared>>
      tpu.wait_indirect_dma semaphore(%arg32 : memref<!tpu.dma_semaphore, #tpu.memory_space<semaphore_mem>>) src(%dma_wait3A_53 : memref<100000xf32, #tpu.memory_space<vmem_shared>>) dst(%arg19 : memref<4000xf32, #tpu.memory_space<vmem>>)
      %dma_wait3A_54 = arith.constant 0 : i32
      %dma_wait3A_55 = tpu.memref_slice %arg31[%dma_wait3A_54] : memref<100000xf32, #tpu.memory_space<vmem_shared>> -> memref<100000xf32, #tpu.memory_space<vmem_shared>>
      tpu.wait_indirect_dma semaphore(%arg32 : memref<!tpu.dma_semaphore, #tpu.memory_space<semaphore_mem>>) src(%dma_wait3A_55 : memref<100000xf32, #tpu.memory_space<vmem_shared>>) dst(%arg20 : memref<4000xf32, #tpu.memory_space<vmem>>)
      %mul3A_56 = arith.constant 200000 : i32
      %mul3A_57 = arith.muli %add3A, %mul3A_56 : i32
      %mul3A_58 = arith.constant 4000 : i32
      %mul3A_59 = arith.muli %mul3A_25, %mul3A_58 : i32
      %add3A_60 = arith.addi %mul3A_57, %mul3A_59 : i32
      "tpu.region"() ({
        %run_scoped3A = tpu.sem_alloc : memref<!tpu.dma_semaphore, #tpu.memory_space<semaphore_mem>>
        %dma_start3A_87 = tpu.memref_slice %arg7[%add3A_60] : memref<6400000xf32, #tpu.memory_space<hbm>> -> memref<4000xf32, #tpu.memory_space<hbm>>
        %dma_start3A_88 = tpu.memref_slice %arg7[%add3A_60] : memref<6400000xf32, #tpu.memory_space<hbm>> -> memref<4000xf32, #tpu.memory_space<hbm>>
        tpu.enqueue_dma source(%arg15 : memref<4000xf32, #tpu.memory_space<vmem>>) target(%dma_start3A_88 : memref<4000xf32, #tpu.memory_space<hbm>>) target_semaphore(%run_scoped3A : memref<!tpu.dma_semaphore, #tpu.memory_space<semaphore_mem>>)
        %dma_wait3A_89 = tpu.memref_slice %arg7[%add3A_60] : memref<6400000xf32, #tpu.memory_space<hbm>> -> memref<4000xf32, #tpu.memory_space<hbm>>
        %dma_wait3A_90 = tpu.memref_slice %arg7[%add3A_60] : memref<6400000xf32, #tpu.memory_space<hbm>> -> memref<4000xf32, #tpu.memory_space<hbm>>
        tpu.wait_dma2 semaphore(%run_scoped3A : memref<!tpu.dma_semaphore, #tpu.memory_space<semaphore_mem>>) src(%arg15 : memref<4000xf32, #tpu.memory_space<vmem>>) dst(%dma_wait3A_90 : memref<4000xf32, #tpu.memory_space<hbm>>)
        tpu.yield
      }) : () -> ()
      "tpu.region"() ({
        %run_scoped3A = tpu.sem_alloc : memref<!tpu.dma_semaphore, #tpu.memory_space<semaphore_mem>>
        %dma_start3A_87 = tpu.memref_slice %arg8[%add3A_60] : memref<6400000xf32, #tpu.memory_space<hbm>> -> memref<4000xf32, #tpu.memory_space<hbm>>
        %dma_start3A_88 = tpu.memref_slice %arg8[%add3A_60] : memref<6400000xf32, #tpu.memory_space<hbm>> -> memref<4000xf32, #tpu.memory_space<hbm>>
        tpu.enqueue_dma source(%arg16 : memref<4000xf32, #tpu.memory_space<vmem>>) target(%dma_start3A_88 : memref<4000xf32, #tpu.memory_space<hbm>>) target_semaphore(%run_scoped3A : memref<!tpu.dma_semaphore, #tpu.memory_space<semaphore_mem>>)
        %dma_wait3A_89 = tpu.memref_slice %arg8[%add3A_60] : memref<6400000xf32, #tpu.memory_space<hbm>> -> memref<4000xf32, #tpu.memory_space<hbm>>
        %dma_wait3A_90 = tpu.memref_slice %arg8[%add3A_60] : memref<6400000xf32, #tpu.memory_space<hbm>> -> memref<4000xf32, #tpu.memory_space<hbm>>
        tpu.wait_dma2 semaphore(%run_scoped3A : memref<!tpu.dma_semaphore, #tpu.memory_space<semaphore_mem>>) src(%arg16 : memref<4000xf32, #tpu.memory_space<vmem>>) dst(%dma_wait3A_90 : memref<4000xf32, #tpu.memory_space<hbm>>)
        tpu.yield
      }) : () -> ()
      "tpu.region"() ({
        %run_scoped3A = tpu.sem_alloc : memref<!tpu.dma_semaphore, #tpu.memory_space<semaphore_mem>>
        %dma_start3A_87 = tpu.memref_slice %arg9[%add3A_60] : memref<6400000xf32, #tpu.memory_space<hbm>> -> memref<4000xf32, #tpu.memory_space<hbm>>
        %dma_start3A_88 = tpu.memref_slice %arg9[%add3A_60] : memref<6400000xf32, #tpu.memory_space<hbm>> -> memref<4000xf32, #tpu.memory_space<hbm>>
        tpu.enqueue_dma source(%arg17 : memref<4000xf32, #tpu.memory_space<vmem>>) target(%dma_start3A_88 : memref<4000xf32, #tpu.memory_space<hbm>>) target_semaphore(%run_scoped3A : memref<!tpu.dma_semaphore, #tpu.memory_space<semaphore_mem>>)
        %dma_wait3A_89 = tpu.memref_slice %arg9[%add3A_60] : memref<6400000xf32, #tpu.memory_space<hbm>> -> memref<4000xf32, #tpu.memory_space<hbm>>
        %dma_wait3A_90 = tpu.memref_slice %arg9[%add3A_60] : memref<6400000xf32, #tpu.memory_space<hbm>> -> memref<4000xf32, #tpu.memory_space<hbm>>
        tpu.wait_dma2 semaphore(%run_scoped3A : memref<!tpu.dma_semaphore, #tpu.memory_space<semaphore_mem>>) src(%arg17 : memref<4000xf32, #tpu.memory_space<vmem>>) dst(%dma_wait3A_90 : memref<4000xf32, #tpu.memory_space<hbm>>)
        tpu.yield
      }) : () -> ()
      "tpu.region"() ({
        %run_scoped3A = tpu.sem_alloc : memref<!tpu.dma_semaphore, #tpu.memory_space<semaphore_mem>>
        %dma_start3A_87 = tpu.memref_slice %arg10[%add3A_60] : memref<6400000xf32, #tpu.memory_space<hbm>> -> memref<4000xf32, #tpu.memory_space<hbm>>
        %dma_start3A_88 = tpu.memref_slice %arg10[%add3A_60] : memref<6400000xf32, #tpu.memory_space<hbm>> -> memref<4000xf32, #tpu.memory_space<hbm>>
        tpu.enqueue_dma source(%arg18 : memref<4000xf32, #tpu.memory_space<vmem>>) target(%dma_start3A_88 : memref<4000xf32, #tpu.memory_space<hbm>>) target_semaphore(%run_scoped3A : memref<!tpu.dma_semaphore, #tpu.memory_space<semaphore_mem>>)
        %dma_wait3A_89 = tpu.memref_slice %arg10[%add3A_60] : memref<6400000xf32, #tpu.memory_space<hbm>> -> memref<4000xf32, #tpu.memory_space<hbm>>
        %dma_wait3A_90 = tpu.memref_slice %arg10[%add3A_60] : memref<6400000xf32, #tpu.memory_space<hbm>> -> memref<4000xf32, #tpu.memory_space<hbm>>
        tpu.wait_dma2 semaphore(%run_scoped3A : memref<!tpu.dma_semaphore, #tpu.memory_space<semaphore_mem>>) src(%arg18 : memref<4000xf32, #tpu.memory_space<vmem>>) dst(%dma_wait3A_90 : memref<4000xf32, #tpu.memory_space<hbm>>)
        tpu.yield
      }) : () -> ()
      "tpu.region"() ({
        %run_scoped3A = tpu.sem_alloc : memref<!tpu.dma_semaphore, #tpu.memory_space<semaphore_mem>>
        %dma_start3A_87 = tpu.memref_slice %arg11[%add3A_60] : memref<6400000xf32, #tpu.memory_space<hbm>> -> memref<4000xf32, #tpu.memory_space<hbm>>
        %dma_start3A_88 = tpu.memref_slice %arg11[%add3A_60] : memref<6400000xf32, #tpu.memory_space<hbm>> -> memref<4000xf32, #tpu.memory_space<hbm>>
        tpu.enqueue_dma source(%arg19 : memref<4000xf32, #tpu.memory_space<vmem>>) target(%dma_start3A_88 : memref<4000xf32, #tpu.memory_space<hbm>>) target_semaphore(%run_scoped3A : memref<!tpu.dma_semaphore, #tpu.memory_space<semaphore_mem>>)
        %dma_wait3A_89 = tpu.memref_slice %arg11[%add3A_60] : memref<6400000xf32, #tpu.memory_space<hbm>> -> memref<4000xf32, #tpu.memory_space<hbm>>
        %dma_wait3A_90 = tpu.memref_slice %arg11[%add3A_60] : memref<6400000xf32, #tpu.memory_space<hbm>> -> memref<4000xf32, #tpu.memory_space<hbm>>
        tpu.wait_dma2 semaphore(%run_scoped3A : memref<!tpu.dma_semaphore, #tpu.memory_space<semaphore_mem>>) src(%arg19 : memref<4000xf32, #tpu.memory_space<vmem>>) dst(%dma_wait3A_90 : memref<4000xf32, #tpu.memory_space<hbm>>)
        tpu.yield
      }) : () -> ()
      "tpu.region"() ({
        %run_scoped3A = tpu.sem_alloc : memref<!tpu.dma_semaphore, #tpu.memory_space<semaphore_mem>>
        %dma_start3A_87 = tpu.memref_slice %arg12[%add3A_60] : memref<6400000xf32, #tpu.memory_space<hbm>> -> memref<4000xf32, #tpu.memory_space<hbm>>
        %dma_start3A_88 = tpu.memref_slice %arg12[%add3A_60] : memref<6400000xf32, #tpu.memory_space<hbm>> -> memref<4000xf32, #tpu.memory_space<hbm>>
        tpu.enqueue_dma source(%arg20 : memref<4000xf32, #tpu.memory_space<vmem>>) target(%dma_start3A_88 : memref<4000xf32, #tpu.memory_space<hbm>>) target_semaphore(%run_scoped3A : memref<!tpu.dma_semaphore, #tpu.memory_space<semaphore_mem>>)
        %dma_wait3A_89 = tpu.memref_slice %arg12[%add3A_60] : memref<6400000xf32, #tpu.memory_space<hbm>> -> memref<4000xf32, #tpu.memory_space<hbm>>
        %dma_wait3A_90 = tpu.memref_slice %arg12[%add3A_60] : memref<6400000xf32, #tpu.memory_space<hbm>> -> memref<4000xf32, #tpu.memory_space<hbm>>
        tpu.wait_dma2 semaphore(%run_scoped3A : memref<!tpu.dma_semaphore, #tpu.memory_space<semaphore_mem>>) src(%arg20 : memref<4000xf32, #tpu.memory_space<vmem>>) dst(%dma_wait3A_90 : memref<4000xf32, #tpu.memory_space<hbm>>)
        tpu.yield
      }) : () -> ()
      %add3A_61 = arith.constant 1 : i32
      %add3A_62 = arith.addi %scan3A_23, %add3A_61 : i32
      %lt3A_63 = arith.constant 25 : i32
      %lt3A_64 = arith.cmpi slt, %add3A_62, %lt3A_63 : i32
      %convert_element_type3A_65 = arith.extui %lt3A_64 : i1 to i32
      %cond3A_66 = arith.constant 0 : i32
      %cond3A_67 = arith.cmpi ne, %convert_element_type3A_65, %cond3A_66 : i32
      scf.if %cond3A_67 {
        %add3A_87 = arith.constant 2 : i32
        %add3A_88 = arith.addi %mul3A_25, %add3A_87 : i32
        %mul3A_89 = arith.constant 200000 : i32
        %mul3A_90 = arith.muli %add3A, %mul3A_89 : i32
        %mul3A_91 = arith.constant 4000 : i32
        %mul3A_92 = arith.muli %add3A_88, %mul3A_91 : i32
        %add3A_93 = arith.addi %mul3A_90, %mul3A_92 : i32
        "tpu.region"() ({
          %run_scoped3A = tpu.sem_alloc : memref<!tpu.dma_semaphore, #tpu.memory_space<semaphore_mem>>
          %dma_start3A_106 = tpu.memref_slice %arg5[%add3A_93] : memref<6400000xi32, #tpu.memory_space<hbm>> -> memref<4000xi32, #tpu.memory_space<hbm>>
          %dma_start3A_107 = tpu.memref_slice %arg5[%add3A_93] : memref<6400000xi32, #tpu.memory_space<hbm>> -> memref<4000xi32, #tpu.memory_space<hbm>>
          tpu.enqueue_dma source(%dma_start3A_107 : memref<4000xi32, #tpu.memory_space<hbm>>) target(%arg13 : memref<4000xi32, #tpu.memory_space<vmem>>) target_semaphore(%run_scoped3A : memref<!tpu.dma_semaphore, #tpu.memory_space<semaphore_mem>>)
          %dma_wait3A_108 = tpu.memref_slice %arg5[%add3A_93] : memref<6400000xi32, #tpu.memory_space<hbm>> -> memref<4000xi32, #tpu.memory_space<hbm>>
          %dma_wait3A_109 = tpu.memref_slice %arg5[%add3A_93] : memref<6400000xi32, #tpu.memory_space<hbm>> -> memref<4000xi32, #tpu.memory_space<hbm>>
          tpu.wait_dma2 semaphore(%run_scoped3A : memref<!tpu.dma_semaphore, #tpu.memory_space<semaphore_mem>>) src(%dma_wait3A_109 : memref<4000xi32, #tpu.memory_space<hbm>>) dst(%arg13 : memref<4000xi32, #tpu.memory_space<vmem>>)
          tpu.yield
        }) : () -> ()
        "tpu.region"() ({
          %run_scoped3A = tpu.sem_alloc : memref<!tpu.dma_semaphore, #tpu.memory_space<semaphore_mem>>
          %dma_start3A_106 = tpu.memref_slice %arg6[%add3A_93] : memref<6400000xi32, #tpu.memory_space<hbm>> -> memref<4000xi32, #tpu.memory_space<hbm>>
          %dma_start3A_107 = tpu.memref_slice %arg6[%add3A_93] : memref<6400000xi32, #tpu.memory_space<hbm>> -> memref<4000xi32, #tpu.memory_space<hbm>>
          tpu.enqueue_dma source(%dma_start3A_107 : memref<4000xi32, #tpu.memory_space<hbm>>) target(%arg14 : memref<4000xi32, #tpu.memory_space<vmem>>) target_semaphore(%run_scoped3A : memref<!tpu.dma_semaphore, #tpu.memory_space<semaphore_mem>>)
          %dma_wait3A_108 = tpu.memref_slice %arg6[%add3A_93] : memref<6400000xi32, #tpu.memory_space<hbm>> -> memref<4000xi32, #tpu.memory_space<hbm>>
          %dma_wait3A_109 = tpu.memref_slice %arg6[%add3A_93] : memref<6400000xi32, #tpu.memory_space<hbm>> -> memref<4000xi32, #tpu.memory_space<hbm>>
          tpu.wait_dma2 semaphore(%run_scoped3A : memref<!tpu.dma_semaphore, #tpu.memory_space<semaphore_mem>>) src(%dma_wait3A_109 : memref<4000xi32, #tpu.memory_space<hbm>>) dst(%arg14 : memref<4000xi32, #tpu.memory_space<vmem>>)
          tpu.yield
        }) : () -> ()
        %dma_start3A_94 = arith.constant 0 : i32
        %dma_start3A_95 = tpu.memref_slice %arg29[%dma_start3A_94] : memref<100000xf32, #tpu.memory_space<vmem_shared>> -> memref<100000xf32, #tpu.memory_space<vmem_shared>>
        tpu.enqueue_indirect_dma source(%dma_start3A_95 : memref<100000xf32, #tpu.memory_space<vmem_shared>>) target(%arg15 : memref<4000xf32, #tpu.memory_space<vmem>>) offsets(%arg13 : memref<4000xi32, #tpu.memory_space<vmem>>) semaphore(%arg32 : memref<!tpu.dma_semaphore, #tpu.memory_space<semaphore_mem>>)
        %dma_start3A_96 = arith.constant 0 : i32
        %dma_start3A_97 = tpu.memref_slice %arg30[%dma_start3A_96] : memref<100000xf32, #tpu.memory_space<vmem_shared>> -> memref<100000xf32, #tpu.memory_space<vmem_shared>>
        tpu.enqueue_indirect_dma source(%dma_start3A_97 : memref<100000xf32, #tpu.memory_space<vmem_shared>>) target(%arg16 : memref<4000xf32, #tpu.memory_space<vmem>>) offsets(%arg13 : memref<4000xi32, #tpu.memory_space<vmem>>) semaphore(%arg32 : memref<!tpu.dma_semaphore, #tpu.memory_space<semaphore_mem>>)
        %dma_start3A_98 = arith.constant 0 : i32
        %dma_start3A_99 = tpu.memref_slice %arg31[%dma_start3A_98] : memref<100000xf32, #tpu.memory_space<vmem_shared>> -> memref<100000xf32, #tpu.memory_space<vmem_shared>>
        tpu.enqueue_indirect_dma source(%dma_start3A_99 : memref<100000xf32, #tpu.memory_space<vmem_shared>>) target(%arg17 : memref<4000xf32, #tpu.memory_space<vmem>>) offsets(%arg13 : memref<4000xi32, #tpu.memory_space<vmem>>) semaphore(%arg32 : memref<!tpu.dma_semaphore, #tpu.memory_space<semaphore_mem>>)
        %dma_start3A_100 = arith.constant 0 : i32
        %dma_start3A_101 = tpu.memref_slice %arg29[%dma_start3A_100] : memref<100000xf32, #tpu.memory_space<vmem_shared>> -> memref<100000xf32, #tpu.memory_space<vmem_shared>>
        tpu.enqueue_indirect_dma source(%dma_start3A_101 : memref<100000xf32, #tpu.memory_space<vmem_shared>>) target(%arg18 : memref<4000xf32, #tpu.memory_space<vmem>>) offsets(%arg14 : memref<4000xi32, #tpu.memory_space<vmem>>) semaphore(%arg32 : memref<!tpu.dma_semaphore, #tpu.memory_space<semaphore_mem>>)
        %dma_start3A_102 = arith.constant 0 : i32
        %dma_start3A_103 = tpu.memref_slice %arg30[%dma_start3A_102] : memref<100000xf32, #tpu.memory_space<vmem_shared>> -> memref<100000xf32, #tpu.memory_space<vmem_shared>>
        tpu.enqueue_indirect_dma source(%dma_start3A_103 : memref<100000xf32, #tpu.memory_space<vmem_shared>>) target(%arg19 : memref<4000xf32, #tpu.memory_space<vmem>>) offsets(%arg14 : memref<4000xi32, #tpu.memory_space<vmem>>) semaphore(%arg32 : memref<!tpu.dma_semaphore, #tpu.memory_space<semaphore_mem>>)
        %dma_start3A_104 = arith.constant 0 : i32
        %dma_start3A_105 = tpu.memref_slice %arg31[%dma_start3A_104] : memref<100000xf32, #tpu.memory_space<vmem_shared>> -> memref<100000xf32, #tpu.memory_space<vmem_shared>>
        tpu.enqueue_indirect_dma source(%dma_start3A_105 : memref<100000xf32, #tpu.memory_space<vmem_shared>>) target(%arg20 : memref<4000xf32, #tpu.memory_space<vmem>>) offsets(%arg14 : memref<4000xi32, #tpu.memory_space<vmem>>) semaphore(%arg32 : memref<!tpu.dma_semaphore, #tpu.memory_space<semaphore_mem>>)
      } else {
      }
      %add3A_68 = arith.constant 1 : i32
      %add3A_69 = arith.addi %mul3A_25, %add3A_68 : i32
      %dma_wait3A_70 = arith.constant 0 : i32
      %dma_wait3A_71 = tpu.memref_slice %arg29[%dma_wait3A_70] : memref<100000xf32, #tpu.memory_space<vmem_shared>> -> memref<100000xf32, #tpu.memory_space<vmem_shared>>
      tpu.wait_indirect_dma semaphore(%arg33 : memref<!tpu.dma_semaphore, #tpu.memory_space<semaphore_mem>>) src(%dma_wait3A_71 : memref<100000xf32, #tpu.memory_space<vmem_shared>>) dst(%arg23 : memref<4000xf32, #tpu.memory_space<vmem>>)
      %dma_wait3A_72 = arith.constant 0 : i32
      %dma_wait3A_73 = tpu.memref_slice %arg30[%dma_wait3A_72] : memref<100000xf32, #tpu.memory_space<vmem_shared>> -> memref<100000xf32, #tpu.memory_space<vmem_shared>>
      tpu.wait_indirect_dma semaphore(%arg33 : memref<!tpu.dma_semaphore, #tpu.memory_space<semaphore_mem>>) src(%dma_wait3A_73 : memref<100000xf32, #tpu.memory_space<vmem_shared>>) dst(%arg24 : memref<4000xf32, #tpu.memory_space<vmem>>)
      %dma_wait3A_74 = arith.constant 0 : i32
      %dma_wait3A_75 = tpu.memref_slice %arg31[%dma_wait3A_74] : memref<100000xf32, #tpu.memory_space<vmem_shared>> -> memref<100000xf32, #tpu.memory_space<vmem_shared>>
      tpu.wait_indirect_dma semaphore(%arg33 : memref<!tpu.dma_semaphore, #tpu.memory_space<semaphore_mem>>) src(%dma_wait3A_75 : memref<100000xf32, #tpu.memory_space<vmem_shared>>) dst(%arg25 : memref<4000xf32, #tpu.memory_space<vmem>>)
      %dma_wait3A_76 = arith.constant 0 : i32
      %dma_wait3A_77 = tpu.memref_slice %arg29[%dma_wait3A_76] : memref<100000xf32, #tpu.memory_space<vmem_shared>> -> memref<100000xf32, #tpu.memory_space<vmem_shared>>
      tpu.wait_indirect_dma semaphore(%arg33 : memref<!tpu.dma_semaphore, #tpu.memory_space<semaphore_mem>>) src(%dma_wait3A_77 : memref<100000xf32, #tpu.memory_space<vmem_shared>>) dst(%arg26 : memref<4000xf32, #tpu.memory_space<vmem>>)
      %dma_wait3A_78 = arith.constant 0 : i32
      %dma_wait3A_79 = tpu.memref_slice %arg30[%dma_wait3A_78] : memref<100000xf32, #tpu.memory_space<vmem_shared>> -> memref<100000xf32, #tpu.memory_space<vmem_shared>>
      tpu.wait_indirect_dma semaphore(%arg33 : memref<!tpu.dma_semaphore, #tpu.memory_space<semaphore_mem>>) src(%dma_wait3A_79 : memref<100000xf32, #tpu.memory_space<vmem_shared>>) dst(%arg27 : memref<4000xf32, #tpu.memory_space<vmem>>)
      %dma_wait3A_80 = arith.constant 0 : i32
      %dma_wait3A_81 = tpu.memref_slice %arg31[%dma_wait3A_80] : memref<100000xf32, #tpu.memory_space<vmem_shared>> -> memref<100000xf32, #tpu.memory_space<vmem_shared>>
      tpu.wait_indirect_dma semaphore(%arg33 : memref<!tpu.dma_semaphore, #tpu.memory_space<semaphore_mem>>) src(%dma_wait3A_81 : memref<100000xf32, #tpu.memory_space<vmem_shared>>) dst(%arg28 : memref<4000xf32, #tpu.memory_space<vmem>>)
      %mul3A_82 = arith.constant 200000 : i32
      %mul3A_83 = arith.muli %add3A, %mul3A_82 : i32
      %mul3A_84 = arith.constant 4000 : i32
      %mul3A_85 = arith.muli %add3A_69, %mul3A_84 : i32
      %add3A_86 = arith.addi %mul3A_83, %mul3A_85 : i32
      "tpu.region"() ({
        %run_scoped3A = tpu.sem_alloc : memref<!tpu.dma_semaphore, #tpu.memory_space<semaphore_mem>>
        %dma_start3A_87 = tpu.memref_slice %arg7[%add3A_86] : memref<6400000xf32, #tpu.memory_space<hbm>> -> memref<4000xf32, #tpu.memory_space<hbm>>
        %dma_start3A_88 = tpu.memref_slice %arg7[%add3A_86] : memref<6400000xf32, #tpu.memory_space<hbm>> -> memref<4000xf32, #tpu.memory_space<hbm>>
        tpu.enqueue_dma source(%arg23 : memref<4000xf32, #tpu.memory_space<vmem>>) target(%dma_start3A_88 : memref<4000xf32, #tpu.memory_space<hbm>>) target_semaphore(%run_scoped3A : memref<!tpu.dma_semaphore, #tpu.memory_space<semaphore_mem>>)
        %dma_wait3A_89 = tpu.memref_slice %arg7[%add3A_86] : memref<6400000xf32, #tpu.memory_space<hbm>> -> memref<4000xf32, #tpu.memory_space<hbm>>
        %dma_wait3A_90 = tpu.memref_slice %arg7[%add3A_86] : memref<6400000xf32, #tpu.memory_space<hbm>> -> memref<4000xf32, #tpu.memory_space<hbm>>
        tpu.wait_dma2 semaphore(%run_scoped3A : memref<!tpu.dma_semaphore, #tpu.memory_space<semaphore_mem>>) src(%arg23 : memref<4000xf32, #tpu.memory_space<vmem>>) dst(%dma_wait3A_90 : memref<4000xf32, #tpu.memory_space<hbm>>)
        tpu.yield
      }) : () -> ()
      "tpu.region"() ({
        %run_scoped3A = tpu.sem_alloc : memref<!tpu.dma_semaphore, #tpu.memory_space<semaphore_mem>>
        %dma_start3A_87 = tpu.memref_slice %arg8[%add3A_86] : memref<6400000xf32, #tpu.memory_space<hbm>> -> memref<4000xf32, #tpu.memory_space<hbm>>
        %dma_start3A_88 = tpu.memref_slice %arg8[%add3A_86] : memref<6400000xf32, #tpu.memory_space<hbm>> -> memref<4000xf32, #tpu.memory_space<hbm>>
        tpu.enqueue_dma source(%arg24 : memref<4000xf32, #tpu.memory_space<vmem>>) target(%dma_start3A_88 : memref<4000xf32, #tpu.memory_space<hbm>>) target_semaphore(%run_scoped3A : memref<!tpu.dma_semaphore, #tpu.memory_space<semaphore_mem>>)
        %dma_wait3A_89 = tpu.memref_slice %arg8[%add3A_86] : memref<6400000xf32, #tpu.memory_space<hbm>> -> memref<4000xf32, #tpu.memory_space<hbm>>
        %dma_wait3A_90 = tpu.memref_slice %arg8[%add3A_86] : memref<6400000xf32, #tpu.memory_space<hbm>> -> memref<4000xf32, #tpu.memory_space<hbm>>
        tpu.wait_dma2 semaphore(%run_scoped3A : memref<!tpu.dma_semaphore, #tpu.memory_space<semaphore_mem>>) src(%arg24 : memref<4000xf32, #tpu.memory_space<vmem>>) dst(%dma_wait3A_90 : memref<4000xf32, #tpu.memory_space<hbm>>)
        tpu.yield
      }) : () -> ()
      "tpu.region"() ({
        %run_scoped3A = tpu.sem_alloc : memref<!tpu.dma_semaphore, #tpu.memory_space<semaphore_mem>>
        %dma_start3A_87 = tpu.memref_slice %arg9[%add3A_86] : memref<6400000xf32, #tpu.memory_space<hbm>> -> memref<4000xf32, #tpu.memory_space<hbm>>
        %dma_start3A_88 = tpu.memref_slice %arg9[%add3A_86] : memref<6400000xf32, #tpu.memory_space<hbm>> -> memref<4000xf32, #tpu.memory_space<hbm>>
        tpu.enqueue_dma source(%arg25 : memref<4000xf32, #tpu.memory_space<vmem>>) target(%dma_start3A_88 : memref<4000xf32, #tpu.memory_space<hbm>>) target_semaphore(%run_scoped3A : memref<!tpu.dma_semaphore, #tpu.memory_space<semaphore_mem>>)
        %dma_wait3A_89 = tpu.memref_slice %arg9[%add3A_86] : memref<6400000xf32, #tpu.memory_space<hbm>> -> memref<4000xf32, #tpu.memory_space<hbm>>
        %dma_wait3A_90 = tpu.memref_slice %arg9[%add3A_86] : memref<6400000xf32, #tpu.memory_space<hbm>> -> memref<4000xf32, #tpu.memory_space<hbm>>
        tpu.wait_dma2 semaphore(%run_scoped3A : memref<!tpu.dma_semaphore, #tpu.memory_space<semaphore_mem>>) src(%arg25 : memref<4000xf32, #tpu.memory_space<vmem>>) dst(%dma_wait3A_90 : memref<4000xf32, #tpu.memory_space<hbm>>)
        tpu.yield
      }) : () -> ()
      "tpu.region"() ({
        %run_scoped3A = tpu.sem_alloc : memref<!tpu.dma_semaphore, #tpu.memory_space<semaphore_mem>>
        %dma_start3A_87 = tpu.memref_slice %arg10[%add3A_86] : memref<6400000xf32, #tpu.memory_space<hbm>> -> memref<4000xf32, #tpu.memory_space<hbm>>
        %dma_start3A_88 = tpu.memref_slice %arg10[%add3A_86] : memref<6400000xf32, #tpu.memory_space<hbm>> -> memref<4000xf32, #tpu.memory_space<hbm>>
        tpu.enqueue_dma source(%arg26 : memref<4000xf32, #tpu.memory_space<vmem>>) target(%dma_start3A_88 : memref<4000xf32, #tpu.memory_space<hbm>>) target_semaphore(%run_scoped3A : memref<!tpu.dma_semaphore, #tpu.memory_space<semaphore_mem>>)
        %dma_wait3A_89 = tpu.memref_slice %arg10[%add3A_86] : memref<6400000xf32, #tpu.memory_space<hbm>> -> memref<4000xf32, #tpu.memory_space<hbm>>
        %dma_wait3A_90 = tpu.memref_slice %arg10[%add3A_86] : memref<6400000xf32, #tpu.memory_space<hbm>> -> memref<4000xf32, #tpu.memory_space<hbm>>
        tpu.wait_dma2 semaphore(%run_scoped3A : memref<!tpu.dma_semaphore, #tpu.memory_space<semaphore_mem>>) src(%arg26 : memref<4000xf32, #tpu.memory_space<vmem>>) dst(%dma_wait3A_90 : memref<4000xf32, #tpu.memory_space<hbm>>)
        tpu.yield
      }) : () -> ()
      "tpu.region"() ({
        %run_scoped3A = tpu.sem_alloc : memref<!tpu.dma_semaphore, #tpu.memory_space<semaphore_mem>>
        %dma_start3A_87 = tpu.memref_slice %arg11[%add3A_86] : memref<6400000xf32, #tpu.memory_space<hbm>> -> memref<4000xf32, #tpu.memory_space<hbm>>
        %dma_start3A_88 = tpu.memref_slice %arg11[%add3A_86] : memref<6400000xf32, #tpu.memory_space<hbm>> -> memref<4000xf32, #tpu.memory_space<hbm>>
        tpu.enqueue_dma source(%arg27 : memref<4000xf32, #tpu.memory_space<vmem>>) target(%dma_start3A_88 : memref<4000xf32, #tpu.memory_space<hbm>>) target_semaphore(%run_scoped3A : memref<!tpu.dma_semaphore, #tpu.memory_space<semaphore_mem>>)
        %dma_wait3A_89 = tpu.memref_slice %arg11[%add3A_86] : memref<6400000xf32, #tpu.memory_space<hbm>> -> memref<4000xf32, #tpu.memory_space<hbm>>
        %dma_wait3A_90 = tpu.memref_slice %arg11[%add3A_86] : memref<6400000xf32, #tpu.memory_space<hbm>> -> memref<4000xf32, #tpu.memory_space<hbm>>
        tpu.wait_dma2 semaphore(%run_scoped3A : memref<!tpu.dma_semaphore, #tpu.memory_space<semaphore_mem>>) src(%arg27 : memref<4000xf32, #tpu.memory_space<vmem>>) dst(%dma_wait3A_90 : memref<4000xf32, #tpu.memory_space<hbm>>)
        tpu.yield
      }) : () -> ()
      "tpu.region"() ({
        %run_scoped3A = tpu.sem_alloc : memref<!tpu.dma_semaphore, #tpu.memory_space<semaphore_mem>>
        %dma_start3A_87 = tpu.memref_slice %arg12[%add3A_86] : memref<6400000xf32, #tpu.memory_space<hbm>> -> memref<4000xf32, #tpu.memory_space<hbm>>
        %dma_start3A_88 = tpu.memref_slice %arg12[%add3A_86] : memref<6400000xf32, #tpu.memory_space<hbm>> -> memref<4000xf32, #tpu.memory_space<hbm>>
        tpu.enqueue_dma source(%arg28 : memref<4000xf32, #tpu.memory_space<vmem>>) target(%dma_start3A_88 : memref<4000xf32, #tpu.memory_space<hbm>>) target_semaphore(%run_scoped3A : memref<!tpu.dma_semaphore, #tpu.memory_space<semaphore_mem>>)
        %dma_wait3A_89 = tpu.memref_slice %arg12[%add3A_86] : memref<6400000xf32, #tpu.memory_space<hbm>> -> memref<4000xf32, #tpu.memory_space<hbm>>
        %dma_wait3A_90 = tpu.memref_slice %arg12[%add3A_86] : memref<6400000xf32, #tpu.memory_space<hbm>> -> memref<4000xf32, #tpu.memory_space<hbm>>
        tpu.wait_dma2 semaphore(%run_scoped3A : memref<!tpu.dma_semaphore, #tpu.memory_space<semaphore_mem>>) src(%arg28 : memref<4000xf32, #tpu.memory_space<vmem>>) dst(%dma_wait3A_90 : memref<4000xf32, #tpu.memory_space<hbm>>)
        tpu.yield
      }) : () -> ()
    }
    %scan3A_22 = arith.constant 25 : i32
    return
  }
}

module attributes {stable_mosaic.version = 14 : i64} {
  func.func @_combine_body(%arg0: i32, %arg1: memref<2000x128xf32, #tpu.memory_space<vmem>>, %arg2: memref<2000x128xf32, #tpu.memory_space<vmem>>, %arg3: memref<2000x128xf32, #tpu.memory_space<vmem>>, %arg4: memref<2000x128xf32, #tpu.memory_space<vmem>>, %arg5: memref<2000x128xf32, #tpu.memory_space<vmem>>, %arg6: memref<2000x128xf32, #tpu.memory_space<vmem>>, %arg7: memref<2000x128xf32, #tpu.memory_space<vmem>>, %arg8: memref<2000x128xf32, #tpu.memory_space<vmem>>, %arg9: memref<2000x128xf32, #tpu.memory_space<vmem>>, %arg10: memref<2000x128xf32, #tpu.memory_space<vmem>>, %arg11: memref<2000x128xf32, #tpu.memory_space<vmem>>, %arg12: memref<2000x128xf32, #tpu.memory_space<vmem>>) attributes {dimension_semantics = [#tpu.dimension_semantics<arbitrary>], iteration_bounds = array<i64: 25>, scalar_prefetch = 0 : i64, scratch_operands = 0 : i64, tpu.core_type = #tpu.core_type<tc>, window_params = [{transform_indices = @transform_0, window_bounds = array<i64: 2000, 128>}, {transform_indices = @transform_1, window_bounds = array<i64: 2000, 128>}, {transform_indices = @transform_2, window_bounds = array<i64: 2000, 128>}, {transform_indices = @transform_3, window_bounds = array<i64: 2000, 128>}, {transform_indices = @transform_4, window_bounds = array<i64: 2000, 128>}, {transform_indices = @transform_5, window_bounds = array<i64: 2000, 128>}, {transform_indices = @transform_6, window_bounds = array<i64: 2000, 128>}, {transform_indices = @transform_7, window_bounds = array<i64: 2000, 128>}, {transform_indices = @transform_8, window_bounds = array<i64: 2000, 128>}, {transform_indices = @transform_9, window_bounds = array<i64: 2000, 128>}, {transform_indices = @transform_10, window_bounds = array<i64: 2000, 128>}, {transform_indices = @transform_11, window_bounds = array<i64: 2000, 128>}]} {
    %get3A = arith.constant 0 : index
    %get3A_0 = arith.constant 0 : index
    %get3A_1 = vector.load %arg4[%get3A, %get3A_0] : memref<2000x128xf32, #tpu.memory_space<vmem>>, vector<2000x128xf32>
    %get3A_2 = arith.constant 0 : index
    %get3A_3 = arith.constant 0 : index
    %get3A_4 = vector.load %arg1[%get3A_2, %get3A_3] : memref<2000x128xf32, #tpu.memory_space<vmem>>, vector<2000x128xf32>
    %sub3A = arith.subf %get3A_1, %get3A_4 : vector<2000x128xf32>
    %get3A_5 = arith.constant 0 : index
    %get3A_6 = arith.constant 0 : index
    %get3A_7 = vector.load %arg7[%get3A_5, %get3A_6] : memref<2000x128xf32, #tpu.memory_space<vmem>>, vector<2000x128xf32>
    %add3A = arith.addf %sub3A, %get3A_7 : vector<2000x128xf32>
    %swap3A = arith.constant 0 : index
    %swap3A_8 = arith.constant 0 : index
    %swap3A_9 = vector.load %arg10[%swap3A, %swap3A_8] : memref<2000x128xf32, #tpu.memory_space<vmem>>, vector<2000x128xf32>
    tpu.vector_store %arg10[%swap3A, %swap3A_8], %add3A {strides = array<i32>} : memref<2000x128xf32, #tpu.memory_space<vmem>>, vector<2000x128xf32>,
    %get3A_10 = arith.constant 0 : index
    %get3A_11 = arith.constant 0 : index
    %get3A_12 = vector.load %arg5[%get3A_10, %get3A_11] : memref<2000x128xf32, #tpu.memory_space<vmem>>, vector<2000x128xf32>
    %get3A_13 = arith.constant 0 : index
    %get3A_14 = arith.constant 0 : index
    %get3A_15 = vector.load %arg2[%get3A_13, %get3A_14] : memref<2000x128xf32, #tpu.memory_space<vmem>>, vector<2000x128xf32>
    %sub3A_16 = arith.subf %get3A_12, %get3A_15 : vector<2000x128xf32>
    %get3A_17 = arith.constant 0 : index
    %get3A_18 = arith.constant 0 : index
    %get3A_19 = vector.load %arg8[%get3A_17, %get3A_18] : memref<2000x128xf32, #tpu.memory_space<vmem>>, vector<2000x128xf32>
    %add3A_20 = arith.addf %sub3A_16, %get3A_19 : vector<2000x128xf32>
    %swap3A_21 = arith.constant 0 : index
    %swap3A_22 = arith.constant 0 : index
    %swap3A_23 = vector.load %arg11[%swap3A_21, %swap3A_22] : memref<2000x128xf32, #tpu.memory_space<vmem>>, vector<2000x128xf32>
    tpu.vector_store %arg11[%swap3A_21, %swap3A_22], %add3A_20 {strides = array<i32>} : memref<2000x128xf32, #tpu.memory_space<vmem>>, vector<2000x128xf32>,
    %get3A_24 = arith.constant 0 : index
    %get3A_25 = arith.constant 0 : index
    %get3A_26 = vector.load %arg6[%get3A_24, %get3A_25] : memref<2000x128xf32, #tpu.memory_space<vmem>>, vector<2000x128xf32>
    %get3A_27 = arith.constant 0 : index
    %get3A_28 = arith.constant 0 : index
    %get3A_29 = vector.load %arg3[%get3A_27, %get3A_28] : memref<2000x128xf32, #tpu.memory_space<vmem>>, vector<2000x128xf32>
    %sub3A_30 = arith.subf %get3A_26, %get3A_29 : vector<2000x128xf32>
    %get3A_31 = arith.constant 0 : index
    %get3A_32 = arith.constant 0 : index
    %get3A_33 = vector.load %arg9[%get3A_31, %get3A_32] : memref<2000x128xf32, #tpu.memory_space<vmem>>, vector<2000x128xf32>
    %add3A_34 = arith.addf %sub3A_30, %get3A_33 : vector<2000x128xf32>
    %swap3A_35 = arith.constant 0 : index
    %swap3A_36 = arith.constant 0 : index
    %swap3A_37 = vector.load %arg12[%swap3A_35, %swap3A_36] : memref<2000x128xf32, #tpu.memory_space<vmem>>, vector<2000x128xf32>
    tpu.vector_store %arg12[%swap3A_35, %swap3A_36], %add3A_34 {strides = array<i32>} : memref<2000x128xf32, #tpu.memory_space<vmem>>, vector<2000x128xf32>,
    return
  }
  func.func @transform_0(%arg0: i32) -> (i32, i32) {
    %c0_i32 = arith.constant 0 : i32
    %c0_i32_0 = arith.constant 0 : i32
    return %arg0, %c0_i32 : i32, i32
  }
  func.func @transform_1(%arg0: i32) -> (i32, i32) {
    %c0_i32 = arith.constant 0 : i32
    %c0_i32_0 = arith.constant 0 : i32
    return %arg0, %c0_i32 : i32, i32
  }
  func.func @transform_2(%arg0: i32) -> (i32, i32) {
    %c0_i32 = arith.constant 0 : i32
    %c0_i32_0 = arith.constant 0 : i32
    return %arg0, %c0_i32 : i32, i32
  }
  func.func @transform_3(%arg0: i32) -> (i32, i32) {
    %c0_i32 = arith.constant 0 : i32
    %c0_i32_0 = arith.constant 0 : i32
    return %arg0, %c0_i32 : i32, i32
  }
  func.func @transform_4(%arg0: i32) -> (i32, i32) {
    %c0_i32 = arith.constant 0 : i32
    %c0_i32_0 = arith.constant 0 : i32
    return %arg0, %c0_i32 : i32, i32
  }
  func.func @transform_5(%arg0: i32) -> (i32, i32) {
    %c0_i32 = arith.constant 0 : i32
    %c0_i32_0 = arith.constant 0 : i32
    return %arg0, %c0_i32 : i32, i32
  }
  func.func @transform_6(%arg0: i32) -> (i32, i32) {
    %c0_i32 = arith.constant 0 : i32
    %c0_i32_0 = arith.constant 0 : i32
    return %arg0, %c0_i32 : i32, i32
  }
  func.func @transform_7(%arg0: i32) -> (i32, i32) {
    %c0_i32 = arith.constant 0 : i32
    %c0_i32_0 = arith.constant 0 : i32
    return %arg0, %c0_i32 : i32, i32
  }
  func.func @transform_8(%arg0: i32) -> (i32, i32) {
    %c0_i32 = arith.constant 0 : i32
    %c0_i32_0 = arith.constant 0 : i32
    return %arg0, %c0_i32 : i32, i32
  }
  func.func @transform_9(%arg0: i32) -> (i32, i32) {
    %c0_i32 = arith.constant 0 : i32
    %c0_i32_0 = arith.constant 0 : i32
    return %arg0, %c0_i32 : i32, i32
  }
  func.func @transform_10(%arg0: i32) -> (i32, i32) {
    %c0_i32 = arith.constant 0 : i32
    %c0_i32_0 = arith.constant 0 : i32
    return %arg0, %c0_i32 : i32, i32
  }
  func.func @transform_11(%arg0: i32) -> (i32, i32) {
    %c0_i32 = arith.constant 0 : i32
    %c0_i32_0 = arith.constant 0 : i32
    return %arg0, %c0_i32 : i32, i32
  }
}

</mosaic_0001>

<sc_bundles>
// kernel: kernel.4.cloned.1.call-start
scs
__scs_entry_jumppad:
0x0: {  	(pc) =	sbr.rel $0x88, $3  }
0x1: {  	(tag) =	ssettag $0x0;
	lr =	simm.s32 $0x1  }
0x2: {  	[smem:$0x3F9D] =	sst lr;
	_ =	strace $0xD0000000  }
0x3: {  	_ = 	snop  }
0x4: {  	_ = 	snop  }
0x5: {  	_ = 	snop  }
0x6: {  	_ = 	snop  }
0x7: {  	_ = 	snop  }
__scs_overlays_trampoline_lowered:
0x8: {  	[smem:$0x3FAC] =	sst s0  }
0x9: {  	[smem:$0x3FAD] =	sst s1  }
0xa: {  	[smem:$0x3FAE] =	sst s2  }
0xb: {  	[smem:$0x3FAF] =	sst s3  }
0xc: {  	[smem:$0x3FB0] =	sst s4  }
0xd: {  	[smem:$0x3FB1] =	sst s5  }
0xe: {  	[smem:$0x3FB2] =	sst s6  }
0xf: {  	[smem:$0x3FB3] =	sst s7  }
0x10: {  	[smem:$0x3FB4] =	sst s8  }
0x11: {  	[smem:$0x3FB5] =	sst s9;
	s0 =	simm.s32 @!p0 $0x0  }
0x12: {  	s1 =	sld [smem:$0x3F9B];
	s0 =	simm.s32 @p0 $0x1  }
0x13: {  	[smem:$0x3FB6] =	sst s0;
	s0 =	simm.s32 @!p1 $0x0  }
0x14: {  	s2 =	sld [smem:$0x3F9A];
	s0 =	simm.s32 @p1 $0x1  }
0x15: {  	[smem:$0x3FB7] =	sst s0;
	s0 =	simm.s32 @!p2 $0x0  }
0x16: {  	s3 =	sld [smem:$0x3FDB];
	s0 =	simm.s32 @p2 $0x1  }
0x17: {  	s4 =	simm.s32 $0x1BF5;
	[smem:$0x3FB9] =	sst s0  }
0x18: {  	s0 =	sld [smem:$0x3F9C];
	_ =	swait.ge [sflag:s4], $0x0  }
0x19: {  	s7 =	sld [smem:$0x3F9D]  }
0x1a: {  	s8 =	sadd.s32 $0xFFFFE003, lr  }
0x1b: {  	s9 =	sadd.s32 $0xFFFFFEF7, lr;
	s5 =	simm.s32 $0xFFFFFFFF;
	p2 =	slt.u32 s8, $0xFFFFF086  }
0x1c: {  	p1 =	slt.u32 s9, $0xF7A;
	s5 =	simm.s32 @!p2 $0x0  }
0x1d: {  	s5 =	simm.s32 @p1 $0x1;
	p0 =	seq.s32 s7, s2  }
0x1e: {  	s7 =	smul.u32 @!p0 $0xF7A, s2;
	p2 =	seq.s32 @!p0 s5, $0x0  }
0x1f: {  	s9 =	smul.u32 $0xF7A, s1;
	s8 =	simm.s32 @!p0 $0x1BF5;
	p2 =	por !p2, p0  }
0x20: {  	[sflag:s8] =	ssyncset.s32 @!p0 $0xFFFFF086;
	s6 =	sadd.s32 @!p0 s3, s7;
	s7 =	simm.s32 @!p0 $0x108  }
0x21: {  	s3 =	sadd.s32 s3, s9;
	s6 =	sadd.s32 @!p0 $0x88, s6;
	s7 =	simm.s32 @p2 $0x1082  }
0x22: {  	[simem:s7], [sflag:s8] =	dma.local @!p0 [hbm:s6], $0xF7A  }
0x23: {  	s9 =	sor.u32 $0xD0000000, s2;
	s6 =	simm.s32 $0x108;
	_ =	swait.ge @!p0 [sflag:s8], $0x0  }
0x24: {  	s3 =	sadd.s32 $0x88, s3;
	s6 =	simm.s32 @!p1 $0x1082;
	[sflag:s4] =	ssyncset.s32 $0xFFFFF086  }
0x25: {  	[simem:s6], [sflag:s4] =	dma.local [hbm:s3], $0xF7A  }
0x26: {  	[smem:$0x3F9D] =	sst s1;
	(tag) =	ssettag s2;
	_ =	strace s9  }
0x27: {  	s1 =	sld [smem:$0x3FAD]  }
0x28: {  	s2 =	sld [smem:$0x3FAE]  }
0x29: {  	s4 =	sld [smem:$0x3FB0]  }
0x2a: {  	p0 =	seq.s32 s5, $0x0;
	s5 =	sld [smem:$0x3FB1]  }
0x2b: {  	s6 =	sld [smem:$0x3FB2]  }
0x2c: {  	s7 =	sld [smem:$0x3FB3]  }
0x2d: {  	s3 =	simm.s32 $0x108;
	s8 =	sld [smem:$0x3FB4]  }
0x2e: {  	s3 =	simm.s32 @!p0 $0x1082;
	s9 =	sld [smem:$0x3FB5]  }
0x2f: {  	lr =	sadd.s32 s0, s3;
	s0 =	sld [smem:$0x3FAC]  }
0x30: {  	s3 =	sld [smem:$0x3FAF]  }
0x31: {  	[smem:$0x3FB8] =	sst s10  }
0x32: {  	s10 =	sld [smem:$0x3FB6];
	_ =	sdelay $0x3  }
0x33: {  	p0 =	seq.s32 s10, $0x1;
	s10 =	sld [smem:$0x3FB8];
	_ =	sdelay $0x3  }
0x34: {  	[smem:$0x3FB8] =	sst s10  }
0x35: {  	s10 =	sld [smem:$0x3FB7];
	_ =	sdelay $0x3  }
0x36: {  	p1 =	seq.s32 s10, $0x1;
	s10 =	sld [smem:$0x3FB8];
	_ =	sdelay $0x3  }
0x37: {  	[smem:$0x3FB8] =	sst s10  }
0x38: {  	s10 =	sld [smem:$0x3FB9]  }
0x39: {  	_ = 	snop;
	(pc) =	sbr.ind lr, $3  }
0x3a: {  	_ = 	snop  }
0x3b: {  	_ = 	snop  }
0x3c: {  	p2 =	seq.s32 s10, $0x1;
	s10 =	sld [smem:$0x3FB8]  }
0x3d: {  	_ =	shalt  }
0x3e: {  	_ =	shalt  }
0x3f: {  	_ =	shalt  }
0x40: {  	_ =	shalt  }
0x41: {  	_ =	shalt  }
0x42: {  	_ =	shalt  }
0x43: {  	_ =	shalt  }
0x44: {  	_ =	shalt  }
0x45: {  	_ =	shalt  }
0x46: {  	_ =	shalt  }
0x47: {  	_ =	shalt  }
0x48: {  	_ =	shalt  }
0x49: {  	_ =	shalt  }
0x4a: {  	_ =	shalt  }
0x4b: {  	_ =	shalt  }
0x4c: {  	_ =	shalt  }
0x4d: {  	_ =	shalt  }
0x4e: {  	_ =	shalt  }
0x4f: {  	_ =	shalt  }
0x50: {  	_ =	shalt  }
0x51: {  	_ =	shalt  }
0x52: {  	_ =	shalt  }
0x53: {  	_ =	shalt  }
0x54: {  	_ =	shalt  }
0x55: {  	_ =	shalt  }
0x56: {  	_ =	shalt  }
0x57: {  	_ =	shalt  }
0x58: {  	_ =	shalt  }
0x59: {  	_ =	shalt  }
0x5a: {  	_ =	shalt  }
0x5b: {  	_ =	shalt  }
0x5c: {  	_ =	shalt  }
0x5d: {  	_ =	shalt  }
0x5e: {  	_ =	shalt  }
0x5f: {  	_ =	shalt  }
0x60: {  	_ =	shalt  }
0x61: {  	_ =	shalt  }
0x62: {  	_ =	shalt  }
0x63: {  	_ =	shalt  }
0x64: {  	_ =	shalt  }
0x65: {  	_ =	shalt  }
0x66: {  	_ =	shalt  }
0x67: {  	_ =	shalt  }
0x68: {  	_ =	shalt  }
0x69: {  	_ =	shalt  }
0x6a: {  	_ =	shalt  }
0x6b: {  	_ =	shalt  }
0x6c: {  	_ =	shalt  }
0x6d: {  	_ =	shalt  }
0x6e: {  	_ =	shalt  }
0x6f: {  	_ =	shalt  }
0x70: {  	_ =	shalt  }
0x71: {  	_ =	shalt  }
0x72: {  	_ =	shalt  }
0x73: {  	_ =	shalt  }
0x74: {  	_ =	shalt  }
0x75: {  	_ =	shalt  }
0x76: {  	_ =	shalt  }
0x77: {  	_ =	shalt  }
0x78: {  	_ =	shalt  }
0x79: {  	_ =	shalt  }
0x7a: {  	_ =	shalt  }
0x7b: {  	_ =	shalt  }
0x7c: {  	_ =	shalt  }
0x7d: {  	_ =	shalt  }
0x7e: {  	_ =	shalt  }
0x7f: {  	_ =	shalt  }
0x80: {  	_ =	shalt  }
0x81: {  	_ =	shalt  }
0x82: {  	_ =	shalt  }
0x83: {  	_ =	shalt  }
0x84: {  	_ =	shalt  }
0x85: {  	_ =	shalt  }
0x86: {  	_ =	shalt  }
0x87: {  	_ =	shalt  }
.Lfunc_end0:
.L_simem_size_0:
called_computation_lowered:
.L_overlay_start_0:
0x88: {  	s2 =	sld [smem:$0x3FD9]  }
0x89: {  	s3 =	sld [smem:$0x3FFE];
	_ =	sdelay $0x1  }
0x8a: {  	s1 =	srdreg.scid  }
0x8b: {  	s0 =	sand.u32 $0x1, s1  }
0x8c: {  	s17 =	sshll.u32 s0, $0xA;
	s2 =	sadd.s32 s3, s2  }
0x8d: {  	s2 =	sadd.s32 s2, s17  }
0x8e: {  	[smem:$0x3FC4] =	sst s2  }
0x8f: {  	_ = 	snop  }
0x90: {  	s2 =	sld [smem:$0x3FC7]  }
0x91: {  	s18 =	sld [smem:$0x3FC6];
	(tm) =	ssettm $0x1  }
0x92: {  	s4 =	sld [smem:$0x3FFB];
	_ =	sdelay $0x3  }
0x93: {  	_ =	strace s4  }
0x94: {  	s4 =	sld [smem:$0x3FFC];
	_ =	sdelay $0x3  }
0x95: {  	_ =	strace s4  }
0x96: {  	s4 =	sld [smem:$0x3FFD];
	_ =	sdelay $0x3  }
0x97: {  	_ =	strace s4  }
0x98: {  	_ =	strace $0x8FFFFFFF  }
0x99: {  	s19 =	sld [smem:$0x3FDB];
	_ =	sdelay $0x1  }
0x9a: {  	s5 =	simm.s32 $_scs_section_size  }
0x9b: {  	s6 =	simm.s32 $_size__tile_overlayer_lowered;
	s7 =	simm.s32 $_tile_overlayer_lowered  }
0x9c: {  	s22 =	simm.s32 $0x1BFF;
	s21 =	sshll.u32 s7, $0x1;
	s4 =	sadd.s32 s5, s19  }
0x9d: {  	s8 =	simm.s32 $0x0;
	s20 =	sshll.u32 s6, $0x1;
	s6 =	sadd.s32 s21, s4  }
0x9e: {  	[timem:s8], [sflag:s22] =	dma.local [hbm:s6], s20  }
0x9f: {  	_ =	swait.ge [sflag:s22], s20  }
0xa0: {  	s5 =	ssub.s32 $0x0, s20;
	[sflag:s22] =	ssyncset.done $0x0  }
0xa1: {  	[sflag:s22] =	ssyncadd.s32 s5;
	_ =	sdelay $0x1  }
0xa2: {  	s23 =	simm.s32 $0x1B8B  }
0xa3: {  	_ =	swait.ge [sflag:s23], $0x1  }
0xa4: {  	[sflag:s23] =	ssyncset.done $0x0  }
0xa5: {  	s25 =	simm.s32 $0x1B8E;
	s24 =	sld [smem:$0x3FFE];
	[sflag:s23] =	ssyncadd.s32 $0xFFFFFFFF  }
0xa6: {  	s26 =	simm.s32 $execute0_lowered;
	[smem:$0x3FD2] =	sst s25  }
0xa7: {  	s6 =	sshll.u32 s26, $0x1;
	_ =	strace $0x80000046;
	[dreg:$0x1] =	wrdreg $0xFFFFFFFF  }
0xa8: {  	s28 =	simm.s32 $_size_execute0_lowered;
	s4 =	sadd.s32 s4, s6;
	[dreg:$0x0] =	wrdreg $0x0  }
0xa9: {  	s6 =	sshll.u32 s28, $0x1;
	[dreg:$0x2] =	wrdreg s4  }
0xaa: {  	[dreg:$0x3] =	wrdreg s6  }
0xab: {  	[dreg:$0x4] =	wrdreg $0xC0  }
0xac: {  	_ =	task [dreg:s8], $0x5FFFF  }
0xad: {  	[dreg:$0x1] =	wrdreg $0xFFFFFFFF  }
0xae: {  	[dreg:$0x0] =	wrdreg $0x60  }
0xaf: {  	[dreg:$0x2] =	wrdreg s24  }
0xb0: {  	[dreg:$0x3] =	wrdreg s2  }
0xb1: {  	[dreg:$0x4] =	wrdreg s18  }
0xb2: {  	[dreg:$0x5] =	wrdreg $0xFA000  }
0xb3: {  	[dreg:$0x6] =	wrdreg $0x112700  }
0xb4: {  	[dreg:$0x7] =	wrdreg $0x12AE00  }
0xb5: {  	[dreg:$0x8] =	wrdreg $0x9  }
0xb6: {  	_ =	task.clear_ibuf [dreg:s8], $0x9FFFF;
	_ =	strace $0x90000046  }
0xb7: {  	s29 =	simm.s32 $0x9;
	_ =	strace $0x80000048  }
0xb8: {  	_ =	swait.ge [sflag:s29], $0x1  }
0xb9: {  	[sflag:s29] =	ssyncadd.s32 $0xFFFFFFFF  }
0xba: {  	_ =	strace $0x90000048  }
0xbb: {  	_ =	sfence  }
0xbc: {  	s30 =	sld [smem:$0x0];
	_ =	sdelay $0x2  }
0xbd: {  	s31 =	sshll.u32 s1, $0xD;
	s1 =	sshrl.u32 s1, $0x2  }
0xbe: {  	s3 =	sand.u32 $0x4000, s31;
	s1 =	sadd.s32 s1, s30  }
0xbf: {  	s0 =	sor.u32 s3, s0;
	s1 =	sshll.u32 s1, $0x11  }
0xc0: {  	s0 =	sor.u32 s1, s0  }
0xc1: {  	s0 =	sadd.s32 $0x8F2B, s0  }
0xc2: {  	[sflag:s0] =	ssyncadd.remote.s32 $0x1  }
0xc3: {  	_ =	sfence.sel $0xFFFF  }
0xc4: {  	[dreg:$0x0] =	wrdreg $0xFFFFFFFF;
	(pc) =	sbr.abs _section_cstart, $3  }
0xc5: {  	[dreg:$0x1] =	wrdreg $0xFFFFFFFF  }
0xc6: {  	_ =	task.clear_ibuf [dreg:s8], $0x2FFFF;
	_ =	strace $0x9FFFFFFF  }
0xc7: {  	(tm) =	ssettm $0x7FFFFFFF  }
tec
execute0_lowered:
.L_overlay_start_1:
0x0: {  	(tag) =	ssettag $0x1  }
0x1: {  	s0 =	rddreg [dreg:$0x0]  }
0x2: {  	s1 =	rddreg [dreg:$0x1]  }
0x3: {  	s21 =	rddreg [dreg:$0x2]  }
0x4: {  	s3 =	rddreg [dreg:$0x3]  }
0x5: {  	s4 =	rddreg [dreg:$0x4]  }
0x6: {  	s5 =	rddreg [dreg:$0x5];
	s7 =	simm.s32 $0x0  }
0x7: {  	s22 =	stileid.u32;
	[smem:$0x7FF] =	sst s7  }
0x8: {  	s8 =	sadd.s32 $0x9600, s0;
	s9 =	smul.u32 $0x61A80, s22;
	s10 =	sadd.s32 $0xCCC00, s0  }
0x9: {  	s6 =	srdreg.scid;
	s11 =	sadd.s32 $0x190200, s0;
	s13 =	sadd.s32 $0x253800, s0  }
0xa: {  	s6 =	sand.u32 $0x1, s6;
	s14 =	sadd.s32 $0x316E00, s0;
	s15 =	sadd.s32 $0x3DA400, s0  }
0xb: {  	s17 =	smul.u32 $0x2710, s22;
	s20 =	sshll.u32 s22, $0x1;
	p0 =	sgt.u32 s22, $0x9  }
0xc: {  	_ =	strace $0x80000047;
	s12 =	smul.u32 $0x30D40, s6;
	s16 =	ssub.s32 $0x2, s6  }
0xd: {  	s6 =	sor.u32 s6, s20;
	s19 =	sshrl.u32 s16, $0x1;
	s20 =	sshrl.u32 s17, $0x3  }
0xe: {  	s9 =	sadd.s32 s12, s9;
	s12 =	ssub.s32 s16, s19;
	s2 =	sadd.s32 s0, s20  }
0xf: {  	s16 =	sadd.s32 s17, s3;
	s25 =	sadd.s32 $0x6400, s2;
	[dreg:$0x15] =	wrdreg s2  }
0x10: {  	s18 =	sadd.s32 $0xFA0, s9;
	s2 =	sadd.s32 $0x3200, s2;
	[dreg:$0x16] =	wrdreg s25  }
0x11: {  	s0 =	sshrl.u32 @!p0 s16, $0x3;
	s18 =	sshrl.u32 s18, $0x3;
	[dreg:$0x17] =	wrdreg s2  }
0x12: {  	s28 =	simm.s32 $0x8CA0;
	[dreg:$0x1c] =	wrdreg s0;
	s19 =	sadd.s32 s18, s15  }
0x13: {  	s29 =	simm.s32 $0x9C40;
	s23 =	sadd.s32 s18, s14;
	[dreg:$0x7] =	wrdreg s19  }
0x14: {  	s30 =	simm.s32 $0xABE0;
	s24 =	sadd.s32 s18, s13;
	[dreg:$0x8] =	wrdreg s23  }
0x15: {  	s6 =	smul.u32 $0x30D40, s6;
	s26 =	sadd.s32 s18, s11;
	[dreg:$0x9] =	wrdreg s24  }
0x16: {  	s31 =	simm.s32 $0xBB80;
	s20 =	sadd.s32 s18, s10;
	[dreg:$0xa] =	wrdreg s26  }
0x17: {  	s6 =	sshrl.u32 s6, $0x3;
	s25 =	sadd.s32 s18, s1;
	[dreg:$0xb] =	wrdreg s20  }
0x18: {  	s22 =	simm.s32 $0x3E80;
	s1 =	sadd.s32 s1, s6;
	[dreg:$0xe] =	wrdreg s25  }
0x19: {  	s19 =	sadd.s32 s17, s4;
	s23 =	sadd.s32 s18, s8;
	[dreg:$0x18] =	wrdreg s1  }
0x1a: {  	s24 =	sadd.s32 s18, s21;
	s26 =	sshrl.u32 s9, $0x3;
	[dreg:$0xc] =	wrdreg s23  }
0x1b: {  	s17 =	sadd.s32 s17, s5;
	s20 =	sadd.s32 s21, s6;
	[dreg:$0xd] =	wrdreg s24  }
0x1c: {  	s18 =	simm.s32 $0x3;
	s2 =	sadd.s32 s26, s15;
	[dreg:$0x19] =	wrdreg s20  }
0x1d: {  	s6 =	simm.s32 $0xDAC0;
	s14 =	sadd.s32 s26, s14;
	[dreg:$0xf] =	wrdreg s2  }
0x1e: {  	s15 =	sadd.s32 s26, s13;
	s23 =	smax.u32 s12, $0x1;
	[dreg:$0x10] =	wrdreg s14  }
0x1f: {  	s24 =	sadd.s32 s26, s10;
	s25 =	sadd.s32 s26, s8;
	[dreg:$0x11] =	wrdreg s15  }
0x20: {  	s0 =	sshrl.u32 @!p0 s19, $0x3;
	s19 =	simm.s32 $0xFA0;
	[dreg:$0x1a] =	wrdreg s23  }
0x21: {  	s20 =	simm.s32 $0x1F40;
	s10 =	simm.s32 $0x1;
	[dreg:$0x13] =	wrdreg s24  }
0x22: {  	s8 =	simm.s32 $0x0;
	s2 =	smov.u32 s21;
	[dreg:$0x14] =	wrdreg s25  }
0x23: {  	s21 =	sadd.s32 s26, s11;
	s26 =	sadd.s32 $0x1F40, s9;
	[dreg:$0x1d] =	wrdreg s0  }
0x24: {  	s0 =	sshrl.u32 @!p0 s17, $0x3;
	s23 =	simm.s32 $0x4E20;
	[dreg:$0x12] =	wrdreg s21  }
0x25: {  	s24 =	simm.s32 $0x5DC0;
	s25 =	simm.s32 $0x6D60;
	[dreg:$0x1b] =	wrdreg s26  }
0x26: {  	s9 =	simm.s32 $0xEA60;
	s11 =	simm.s32 $0x2;
	[dreg:$0x1e] =	wrdreg s0  }
0x27: {  	s21 =	simm.s32 $0x2EE0;
	s26 =	simm.s32 $0x7D00;
	s0 =	simm.s32 $0xCB20  }
.LBB2_1:
0x28: {  	[dreg:$0x1f] =	wrdreg s8;
	s1 =	stileid.u32  }
0x29: {  	s12 =	rddreg [dreg:$0x1c];
	s8 =	sshll.u32 @!p0 s1, $0x6  }
0x2a: {  	s13 =	simm.s32 @!p0 $0x3;
	s1 =	rddreg [dreg:$0x16];
	s8 =	sor.u32 @!p0 $0x1C03, s8  }
0x2b: {  	[spmem:s12], [sflag:s8] =	dma.local @!p0 [hbm:s1], $0x4E2  }
0x2c: {  	_ =	swait.ge @!p0 [sflag:s13], $0x4E2  }
0x2d: {  	[sflag:s13] =	ssyncset.done @!p0 $0x0;
	s1 =	rddreg [dreg:$0x17]  }
0x2e: {  	s12 =	rddreg [dreg:$0x1d];
	[sflag:s13] =	ssyncadd.s32 @!p0 $0xFFFFFB1E  }
0x2f: {  	[spmem:s12], [sflag:s8] =	dma.local @!p0 [hbm:s1], $0x4E2  }
0x30: {  	_ =	swait.ge @!p0 [sflag:s13], $0x4E2  }
0x31: {  	[sflag:s13] =	ssyncset.done @!p0 $0x0;
	s1 =	rddreg [dreg:$0x15]  }
0x32: {  	s12 =	rddreg [dreg:$0x1e];
	[sflag:s13] =	ssyncadd.s32 @!p0 $0xFFFFFB1E  }
0x33: {  	[spmem:s12], [sflag:s8] =	dma.local @!p0 [hbm:s1], $0x4E2  }
0x34: {  	_ =	swait.ge @!p0 [sflag:s13], $0x4E2  }
0x35: {  	[sflag:s13] =	ssyncset.done @!p0 $0x0  }
0x36: {  	[sflag:s13] =	ssyncadd.s32 @!p0 $0xFFFFFB1E  }
0x37: {  	[bflag:$0x0] =	sbarrier.arrive $0xFFFF  }
0x38: {  	s15 =	rddreg [dreg:$0x18]  }
0x39: {  	[tilespmem:s7], [sflag:$0x3] =	stream.linear.gather [hbm4b:s15+s7], $0xFA0, $0x38;
	[tilespmem:$0x14350] =	vst v63  }
0x3a: {  	_ =	swait.ge [sflag:s18], $0xFA0  }
0x3b: {  	[sflag:s18] =	ssyncset.done $0x0  }
0x3c: {  	s16 =	rddreg [dreg:$0x19];
	[sflag:s18] =	ssyncadd.s32 $0xFFFFF060  }
0x3d: {  	[tilespmem:s19], [sflag:$0x3] =	stream.linear.gather [hbm4b:s16+s7], $0xFA0, $0x38;
	[tilespmem:$0x14350] =	vst v63  }
0x3e: {  	_ =	swait.ge [sflag:s18], $0xFA0  }
0x3f: {  	[sflag:s18] =	ssyncset.done $0x0  }
0x40: {  	[sflag:s18] =	ssyncadd.s32 $0xFFFFF060  }
0x41: {  	[tilespmem:s20], [sflag:$0x1] =	stream.indirect.gather [spmem:s3], $0x1, s7, s19, $0xb8;
	[tilespmem:$0x14350] =	vst v63  }
0x42: {  	_ = 	snop  }
0x43: {  	[tilespmem:s21], [sflag:$0x1] =	stream.indirect.gather [spmem:s4], $0x1, s7, s19, $0xb8;
	[tilespmem:$0x14350] =	vst v63  }
0x44: {  	_ = 	snop  }
0x45: {  	[tilespmem:s22], [sflag:$0x1] =	stream.indirect.gather [spmem:s5], $0x1, s7, s19, $0xb8;
	[tilespmem:$0x14350] =	vst v63  }
0x46: {  	_ = 	snop  }
0x47: {  	[tilespmem:s23], [sflag:$0x1] =	stream.indirect.gather [spmem:s3], $0x1, s19, s19, $0xb8;
	[tilespmem:$0x14350] =	vst v63  }
0x48: {  	_ = 	snop  }
0x49: {  	[tilespmem:s24], [sflag:$0x1] =	stream.indirect.gather [spmem:s4], $0x1, s19, s19, $0xb8;
	[tilespmem:$0x14350] =	vst v63  }
0x4a: {  	s17 =	rddreg [dreg:$0xe]  }
0x4b: {  	[tilespmem:s25], [sflag:$0x1] =	stream.indirect.gather [spmem:s5], $0x1, s19, s19, $0xb8;
	[tilespmem:$0x14350] =	vst v63  }
0x4c: {  	s8 =	sadd.s32 $0x0, s17  }
0x4d: {  	[tilespmem:s26], [sflag:$0x3] =	stream.linear.gather [hbm4b:s8+s7], $0xFA0, $0x38;
	[tilespmem:$0x14350] =	vst v63  }
0x4e: {  	_ =	swait.ge [sflag:s18], $0xFA0  }
0x4f: {  	s1 =	rddreg [dreg:$0xd];
	[sflag:s18] =	ssyncset.done $0x0  }
0x50: {  	[sflag:s18] =	ssyncadd.s32 $0xFFFFF060;
	s8 =	sadd.s32 $0x0, s1  }
0x51: {  	[tilespmem:s28], [sflag:$0x3] =	stream.linear.gather [hbm4b:s8+s7], $0xFA0, $0x38;
	[tilespmem:$0x14350] =	vst v63  }
0x52: {  	_ =	swait.ge [sflag:s18], $0xFA0  }
0x53: {  	[sflag:s18] =	ssyncset.done $0x0  }
0x54: {  	[sflag:s18] =	ssyncadd.s32 $0xFFFFF060  }
0x55: {  	[tilespmem:s29], [sflag:$0x2] =	stream.indirect.gather [spmem:s3], $0x1, s26, s19, $0xb8;
	[tilespmem:$0x14350] =	vst v63  }
0x56: {  	_ = 	snop  }
0x57: {  	[tilespmem:s30], [sflag:$0x2] =	stream.indirect.gather [spmem:s4], $0x1, s26, s19, $0xb8;
	[tilespmem:$0x14350] =	vst v63  }
0x58: {  	_ = 	snop  }
0x59: {  	[tilespmem:s31], [sflag:$0x2] =	stream.indirect.gather [spmem:s5], $0x1, s26, s19, $0xb8;
	[tilespmem:$0x14350] =	vst v63  }
0x5a: {  	_ = 	snop  }
0x5b: {  	[tilespmem:s0], [sflag:$0x2] =	stream.indirect.gather [spmem:s3], $0x1, s28, s19, $0xb8;
	[tilespmem:$0x14350] =	vst v63  }
0x5c: {  	_ = 	snop  }
0x5d: {  	[tilespmem:s6], [sflag:$0x2] =	stream.indirect.gather [spmem:s4], $0x1, s28, s19, $0xb8;
	[tilespmem:$0x14350] =	vst v63  }
0x5e: {  	_ = 	snop  }
0x5f: {  	[tilespmem:s9], [sflag:$0x2] =	stream.indirect.gather [spmem:s5], $0x1, s28, s19, $0xb8;
	[tilespmem:$0x14350] =	vst v63  }
0x60: {  	_ =	swait.ge [sflag:s10], $0xFA0  }
0x61: {  	[sflag:s10] =	ssyncset.done $0x0  }
0x62: {  	[sflag:s10] =	ssyncadd.s32 $0xFFFFF060  }
0x63: {  	_ =	swait.ge [sflag:s10], $0xFA0  }
0x64: {  	[sflag:s10] =	ssyncset.done $0x0  }
0x65: {  	[sflag:s10] =	ssyncadd.s32 $0xFFFFF060  }
0x66: {  	_ =	swait.ge [sflag:s10], $0xFA0  }
0x67: {  	[sflag:s10] =	ssyncset.done $0x0  }
0x68: {  	[sflag:s10] =	ssyncadd.s32 $0xFFFFF060  }
0x69: {  	_ =	swait.ge [sflag:s10], $0xFA0  }
0x6a: {  	[sflag:s10] =	ssyncset.done $0x0  }
0x6b: {  	[sflag:s10] =	ssyncadd.s32 $0xFFFFF060  }
0x6c: {  	_ =	swait.ge [sflag:s10], $0xFA0  }
0x6d: {  	[sflag:s10] =	ssyncset.done $0x0  }
0x6e: {  	[sflag:s10] =	ssyncadd.s32 $0xFFFFF060  }
0x6f: {  	_ =	swait.ge [sflag:s10], $0xFA0  }
0x70: {  	s12 =	rddreg [dreg:$0x14];
	[sflag:s10] =	ssyncset.done $0x0  }
0x71: {  	[sflag:s10] =	ssyncadd.s32 $0xFFFFF060;
	s8 =	sadd.s32 $0x0, s12  }
0x72: {  	[hbm4b:s8+s7] =	stream.linear.scatter [tilespmem:s20], [sflag:$0x3], $0xFA0, $0x38;
	[tilespmem:$0x14350] =	vst v63  }
0x73: {  	_ =	swait.ge [sflag:s18], $0xFA0  }
0x74: {  	s13 =	rddreg [dreg:$0x13];
	[sflag:s18] =	ssyncset.done $0x0  }
0x75: {  	[sflag:s18] =	ssyncadd.s32 $0xFFFFF060;
	s8 =	sadd.s32 $0x0, s13  }
0x76: {  	[hbm4b:s8+s7] =	stream.linear.scatter [tilespmem:s21], [sflag:$0x3], $0xFA0, $0x38;
	[tilespmem:$0x14350] =	vst v63  }
0x77: {  	_ =	swait.ge [sflag:s18], $0xFA0  }
0x78: {  	s14 =	rddreg [dreg:$0x12];
	[sflag:s18] =	ssyncset.done $0x0  }
0x79: {  	[sflag:s18] =	ssyncadd.s32 $0xFFFFF060;
	s8 =	sadd.s32 $0x0, s14  }
0x7a: {  	[hbm4b:s8+s7] =	stream.linear.scatter [tilespmem:s22], [sflag:$0x3], $0xFA0, $0x38;
	[tilespmem:$0x14350] =	vst v63  }
0x7b: {  	_ =	swait.ge [sflag:s18], $0xFA0  }
0x7c: {  	s15 =	rddreg [dreg:$0x11];
	[sflag:s18] =	ssyncset.done $0x0  }
0x7d: {  	[sflag:s18] =	ssyncadd.s32 $0xFFFFF060;
	s8 =	sadd.s32 $0x0, s15  }
0x7e: {  	[hbm4b:s8+s7] =	stream.linear.scatter [tilespmem:s23], [sflag:$0x3], $0xFA0, $0x38;
	[tilespmem:$0x14350] =	vst v63  }
0x7f: {  	_ =	swait.ge [sflag:s18], $0xFA0  }
0x80: {  	s16 =	rddreg [dreg:$0x10];
	[sflag:s18] =	ssyncset.done $0x0  }
0x81: {  	[sflag:s18] =	ssyncadd.s32 $0xFFFFF060;
	s8 =	sadd.s32 $0x0, s16  }
0x82: {  	[hbm4b:s8+s7] =	stream.linear.scatter [tilespmem:s24], [sflag:$0x3], $0xFA0, $0x38;
	[tilespmem:$0x14350] =	vst v63  }
0x83: {  	_ =	swait.ge [sflag:s18], $0xFA0  }
0x84: {  	s17 =	rddreg [dreg:$0xf];
	[sflag:s18] =	ssyncset.done $0x0  }
0x85: {  	[sflag:s18] =	ssyncadd.s32 $0xFFFFF060;
	s8 =	sadd.s32 $0x0, s17  }
0x86: {  	[hbm4b:s8+s7] =	stream.linear.scatter [tilespmem:s25], [sflag:$0x3], $0xFA0, $0x38;
	[tilespmem:$0x14350] =	vst v63  }
0x87: {  	_ =	swait.ge [sflag:s18], $0xFA0  }
0x88: {  	[sflag:s18] =	ssyncset.done $0x0  }
0x89: {  	p1 =	por $0x0, $0x0;
	s12 =	rddreg [dreg:$0x1b];
	[sflag:s18] =	ssyncadd.s32 $0xFFFFF060  }
0x8a: {  	s8 =	sshrl.u32 @!p1 s12, $0x3;
	s1 =	rddreg [dreg:$0x1]  }
0x8b: {  	s13 =	simm.s32 @!p1 $0x3;
	s16 =	simm.s32 @!p1 $0x0;
	s14 =	sadd.s32 @!p1 s1, s8  }
0x8c: {  	[tilespmem:s16], [sflag:$0x3] =	stream.linear.gather @!p1 [hbm4b:s14+s16], $0xFA0, $0x38;
	[tilespmem:$0x14350] =	vst v63  }
0x8d: {  	_ =	swait.ge @!p1 [sflag:s13], $0xFA0  }
0x8e: {  	[sflag:s13] =	ssyncset.done @!p1 $0x0  }
0x8f: {  	s8 =	sadd.s32 @!p1 s2, s8;
	s14 =	simm.s32 @!p1 $0xFA0;
	[sflag:s13] =	ssyncadd.s32 @!p1 $0xFFFFF060  }
0x90: {  	[tilespmem:s14], [sflag:$0x3] =	stream.linear.gather @!p1 [hbm4b:s8+s16], $0xFA0, $0x38;
	[tilespmem:$0x14350] =	vst v63  }
0x91: {  	_ =	swait.ge @!p1 [sflag:s13], $0xFA0  }
0x92: {  	[sflag:s13] =	ssyncset.done @!p1 $0x0  }
0x93: {  	s8 =	simm.s32 @!p1 $0x1F40;
	[sflag:s13] =	ssyncadd.s32 @!p1 $0xFFFFF060  }
0x94: {  	[tilespmem:s8], [sflag:$0x1] =	stream.indirect.gather @!p1 [spmem:s3], $0x1, s16, s14, $0xb8;
	[tilespmem:$0x14350] =	vst v63  }
0x95: {  	s8 =	simm.s32 @!p1 $0x2EE0  }
0x96: {  	[tilespmem:s8], [sflag:$0x1] =	stream.indirect.gather @!p1 [spmem:s4], $0x1, s16, s14, $0xb8;
	[tilespmem:$0x14350] =	vst v63  }
0x97: {  	s8 =	simm.s32 @!p1 $0x3E80  }
0x98: {  	[tilespmem:s8], [sflag:$0x1] =	stream.indirect.gather @!p1 [spmem:s5], $0x1, s16, s14, $0xb8;
	[tilespmem:$0x14350] =	vst v63  }
0x99: {  	s8 =	simm.s32 @!p1 $0x4E20  }
0x9a: {  	[tilespmem:s8], [sflag:$0x1] =	stream.indirect.gather @!p1 [spmem:s3], $0x1, s14, s14, $0xb8;
	[tilespmem:$0x14350] =	vst v63  }
0x9b: {  	s8 =	simm.s32 @!p1 $0x5DC0  }
0x9c: {  	[tilespmem:s8], [sflag:$0x1] =	stream.indirect.gather @!p1 [spmem:s4], $0x1, s14, s14, $0xb8;
	[tilespmem:$0x14350] =	vst v63  }
0x9d: {  	s8 =	simm.s32 @!p1 $0x6D60  }
0x9e: {  	[tilespmem:s8], [sflag:$0x1] =	stream.indirect.gather @!p1 [spmem:s5], $0x1, s14, s14, $0xb8;
	[tilespmem:$0x14350] =	vst v63  }
0x9f: {  	_ =	swait.ge [sflag:s11], $0xFA0  }
0xa0: {  	[sflag:s11] =	ssyncset.done $0x0  }
0xa1: {  	[sflag:s11] =	ssyncadd.s32 $0xFFFFF060  }
0xa2: {  	_ =	swait.ge [sflag:s11], $0xFA0  }
0xa3: {  	[sflag:s11] =	ssyncset.done $0x0  }
0xa4: {  	[sflag:s11] =	ssyncadd.s32 $0xFFFFF060  }
0xa5: {  	_ =	swait.ge [sflag:s11], $0xFA0  }
0xa6: {  	[sflag:s11] =	ssyncset.done $0x0  }
0xa7: {  	[sflag:s11] =	ssyncadd.s32 $0xFFFFF060  }
0xa8: {  	_ =	swait.ge [sflag:s11], $0xFA0  }
0xa9: {  	[sflag:s11] =	ssyncset.done $0x0  }
0xaa: {  	[sflag:s11] =	ssyncadd.s32 $0xFFFFF060  }
0xab: {  	_ =	swait.ge [sflag:s11], $0xFA0  }
0xac: {  	[sflag:s11] =	ssyncset.done $0x0  }
0xad: {  	[sflag:s11] =	ssyncadd.s32 $0xFFFFF060  }
0xae: {  	_ =	swait.ge [sflag:s11], $0xFA0  }
0xaf: {  	s1 =	rddreg [dreg:$0xc];
	[sflag:s11] =	ssyncset.done $0x0  }
0xb0: {  	[sflag:s11] =	ssyncadd.s32 $0xFFFFF060;
	s8 =	sadd.s32 $0x0, s1  }
0xb1: {  	[hbm4b:s8+s7] =	stream.linear.scatter [tilespmem:s29], [sflag:$0x3], $0xFA0, $0x38;
	[tilespmem:$0x14350] =	vst v63  }
0xb2: {  	_ =	swait.ge [sflag:s18], $0xFA0  }
0xb3: {  	s13 =	rddreg [dreg:$0xb];
	[sflag:s18] =	ssyncset.done $0x0  }
0xb4: {  	[sflag:s18] =	ssyncadd.s32 $0xFFFFF060;
	s8 =	sadd.s32 $0x0, s13  }
0xb5: {  	[hbm4b:s8+s7] =	stream.linear.scatter [tilespmem:s30], [sflag:$0x3], $0xFA0, $0x38;
	[tilespmem:$0x14350] =	vst v63  }
0xb6: {  	_ =	swait.ge [sflag:s18], $0xFA0  }
0xb7: {  	s14 =	rddreg [dreg:$0xa];
	[sflag:s18] =	ssyncset.done $0x0  }
0xb8: {  	[sflag:s18] =	ssyncadd.s32 $0xFFFFF060;
	s8 =	sadd.s32 $0x0, s14  }
0xb9: {  	[hbm4b:s8+s7] =	stream.linear.scatter [tilespmem:s31], [sflag:$0x3], $0xFA0, $0x38;
	[tilespmem:$0x14350] =	vst v63  }
0xba: {  	_ =	swait.ge [sflag:s18], $0xFA0  }
0xbb: {  	s15 =	rddreg [dreg:$0x9];
	[sflag:s18] =	ssyncset.done $0x0  }
0xbc: {  	[sflag:s18] =	ssyncadd.s32 $0xFFFFF060;
	s8 =	sadd.s32 $0x0, s15  }
0xbd: {  	[hbm4b:s8+s7] =	stream.linear.scatter [tilespmem:s0], [sflag:$0x3], $0xFA0, $0x38;
	[tilespmem:$0x14350] =	vst v63  }
0xbe: {  	_ =	swait.ge [sflag:s18], $0xFA0  }
0xbf: {  	s16 =	rddreg [dreg:$0x8];
	[sflag:s18] =	ssyncset.done $0x0  }
0xc0: {  	[sflag:s18] =	ssyncadd.s32 $0xFFFFF060;
	s8 =	sadd.s32 $0x0, s16  }
0xc1: {  	[hbm4b:s8+s7] =	stream.linear.scatter [tilespmem:s6], [sflag:$0x3], $0xFA0, $0x38;
	[tilespmem:$0x14350] =	vst v63  }
0xc2: {  	_ =	swait.ge [sflag:s18], $0xFA0  }
0xc3: {  	s17 =	rddreg [dreg:$0x7];
	[sflag:s18] =	ssyncset.done $0x0  }
0xc4: {  	[sflag:s18] =	ssyncadd.s32 $0xFFFFF060;
	s8 =	sadd.s32 $0x0, s17  }
0xc5: {  	[hbm4b:s8+s7] =	stream.linear.scatter [tilespmem:s9], [sflag:$0x3], $0xFA0, $0x38;
	[tilespmem:$0x14350] =	vst v63  }
0xc6: {  	s13 =	simm.s32 $0x3E8;
	s14 =	smov.u32 s12;
	_ =	swait.ge [sflag:s18], $0xFA0  }
0xc7: {  	s16 =	simm.s32 $0x7D0;
	s8 =	rddreg [dreg:$0xe];
	[sflag:s18] =	ssyncset.done $0x0  }
.LBB2_2:
0xc8: {  	[sflag:s18] =	ssyncadd.s32 $0xFFFFF060;
	s8 =	sadd.s32 s13, s8  }
0xc9: {  	[tilespmem:s26], [sflag:$0x3] =	stream.linear.gather [hbm4b:s8+s7], $0xFA0, $0x38;
	[tilespmem:$0x14350] =	vst v63  }
0xca: {  	_ =	swait.ge [sflag:s18], $0xFA0  }
0xcb: {  	s1 =	rddreg [dreg:$0xd];
	[sflag:s18] =	ssyncset.done $0x0  }
0xcc: {  	[sflag:s18] =	ssyncadd.s32 $0xFFFFF060;
	s8 =	sadd.s32 s13, s1  }
0xcd: {  	[tilespmem:s28], [sflag:$0x3] =	stream.linear.gather [hbm4b:s8+s7], $0xFA0, $0x38;
	[tilespmem:$0x14350] =	vst v63  }
0xce: {  	_ =	swait.ge [sflag:s18], $0xFA0  }
0xcf: {  	[sflag:s18] =	ssyncset.done $0x0  }
0xd0: {  	[sflag:s18] =	ssyncadd.s32 $0xFFFFF060  }
0xd1: {  	[tilespmem:s29], [sflag:$0x2] =	stream.indirect.gather [spmem:s3], $0x1, s26, s19, $0xb8;
	[tilespmem:$0x14350] =	vst v63  }
0xd2: {  	_ = 	snop  }
0xd3: {  	[tilespmem:s30], [sflag:$0x2] =	stream.indirect.gather [spmem:s4], $0x1, s26, s19, $0xb8;
	[tilespmem:$0x14350] =	vst v63  }
0xd4: {  	_ = 	snop  }
0xd5: {  	[tilespmem:s31], [sflag:$0x2] =	stream.indirect.gather [spmem:s5], $0x1, s26, s19, $0xb8;
	[tilespmem:$0x14350] =	vst v63  }
0xd6: {  	_ = 	snop  }
0xd7: {  	[tilespmem:s0], [sflag:$0x2] =	stream.indirect.gather [spmem:s3], $0x1, s28, s19, $0xb8;
	[tilespmem:$0x14350] =	vst v63  }
0xd8: {  	_ = 	snop  }
0xd9: {  	[tilespmem:s6], [sflag:$0x2] =	stream.indirect.gather [spmem:s4], $0x1, s28, s19, $0xb8;
	[tilespmem:$0x14350] =	vst v63  }
0xda: {  	_ = 	snop  }
0xdb: {  	[tilespmem:s9], [sflag:$0x2] =	stream.indirect.gather [spmem:s5], $0x1, s28, s19, $0xb8;
	[tilespmem:$0x14350] =	vst v63  }
0xdc: {  	_ =	swait.ge [sflag:s10], $0xFA0  }
0xdd: {  	[sflag:s10] =	ssyncset.done $0x0  }
0xde: {  	[sflag:s10] =	ssyncadd.s32 $0xFFFFF060  }
0xdf: {  	_ =	swait.ge [sflag:s10], $0xFA0  }
0xe0: {  	[sflag:s10] =	ssyncset.done $0x0  }
0xe1: {  	[sflag:s10] =	ssyncadd.s32 $0xFFFFF060  }
0xe2: {  	_ =	swait.ge [sflag:s10], $0xFA0  }
0xe3: {  	[sflag:s10] =	ssyncset.done $0x0  }
0xe4: {  	[sflag:s10] =	ssyncadd.s32 $0xFFFFF060  }
0xe5: {  	_ =	swait.ge [sflag:s10], $0xFA0  }
0xe6: {  	[sflag:s10] =	ssyncset.done $0x0  }
0xe7: {  	[sflag:s10] =	ssyncadd.s32 $0xFFFFF060  }
0xe8: {  	_ =	swait.ge [sflag:s10], $0xFA0  }
0xe9: {  	[sflag:s10] =	ssyncset.done $0x0  }
0xea: {  	[sflag:s10] =	ssyncadd.s32 $0xFFFFF060  }
0xeb: {  	_ =	swait.ge [sflag:s10], $0xFA0  }
0xec: {  	s12 =	rddreg [dreg:$0x14];
	[sflag:s10] =	ssyncset.done $0x0  }
0xed: {  	[sflag:s10] =	ssyncadd.s32 $0xFFFFF060;
	s8 =	sadd.s32 s13, s12  }
0xee: {  	[hbm4b:s8+s7] =	stream.linear.scatter [tilespmem:s20], [sflag:$0x3], $0xFA0, $0x38;
	[tilespmem:$0x14350] =	vst v63  }
0xef: {  	_ =	swait.ge [sflag:s18], $0xFA0  }
0xf0: {  	s15 =	rddreg [dreg:$0x13];
	[sflag:s18] =	ssyncset.done $0x0  }
0xf1: {  	[sflag:s18] =	ssyncadd.s32 $0xFFFFF060;
	s8 =	sadd.s32 s13, s15  }
0xf2: {  	[hbm4b:s8+s7] =	stream.linear.scatter [tilespmem:s21], [sflag:$0x3], $0xFA0, $0x38;
	[tilespmem:$0x14350] =	vst v63  }
0xf3: {  	_ =	swait.ge [sflag:s18], $0xFA0  }
0xf4: {  	s1 =	rddreg [dreg:$0x12];
	[sflag:s18] =	ssyncset.done $0x0  }
0xf5: {  	[sflag:s18] =	ssyncadd.s32 $0xFFFFF060;
	s8 =	sadd.s32 s13, s1  }
0xf6: {  	[hbm4b:s8+s7] =	stream.linear.scatter [tilespmem:s22], [sflag:$0x3], $0xFA0, $0x38;
	[tilespmem:$0x14350] =	vst v63  }
0xf7: {  	_ =	swait.ge [sflag:s18], $0xFA0  }
0xf8: {  	s12 =	rddreg [dreg:$0x11];
	[sflag:s18] =	ssyncset.done $0x0  }
0xf9: {  	[sflag:s18] =	ssyncadd.s32 $0xFFFFF060;
	s8 =	sadd.s32 s13, s12  }
0xfa: {  	[hbm4b:s8+s7] =	stream.linear.scatter [tilespmem:s23], [sflag:$0x3], $0xFA0, $0x38;
	[tilespmem:$0x14350] =	vst v63  }
0xfb: {  	_ =	swait.ge [sflag:s18], $0xFA0  }
0xfc: {  	s15 =	rddreg [dreg:$0x10];
	[sflag:s18] =	ssyncset.done $0x0  }
0xfd: {  	[sflag:s18] =	ssyncadd.s32 $0xFFFFF060;
	s8 =	sadd.s32 s13, s15  }
0xfe: {  	[hbm4b:s8+s7] =	stream.linear.scatter [tilespmem:s24], [sflag:$0x3], $0xFA0, $0x38;
	[tilespmem:$0x14350] =	vst v63  }
0xff: {  	_ =	swait.ge [sflag:s18], $0xFA0  }
0x100: {  	s1 =	rddreg [dreg:$0xf];
	[sflag:s18] =	ssyncset.done $0x0  }
0x101: {  	[sflag:s18] =	ssyncadd.s32 $0xFFFFF060;
	s8 =	sadd.s32 s13, s1  }
0x102: {  	[hbm4b:s8+s7] =	stream.linear.scatter [tilespmem:s25], [sflag:$0x3], $0xFA0, $0x38;
	[tilespmem:$0x14350] =	vst v63  }
0x103: {  	_ =	swait.ge [sflag:s18], $0xFA0  }
0x104: {  	[sflag:s18] =	ssyncset.done $0x0  }
0x105: {  	s14 =	sadd.s32 $0x1F40, s14;
	p2 =	seq.s32 s13, $0x5DC0;
	[sflag:s18] =	ssyncadd.s32 $0xFFFFF060  }
0x106: {  	s8 =	sshrl.u32 @!p2 s14, $0x3;
	s1 =	rddreg [dreg:$0x1]  }
0x107: {  	s15 =	simm.s32 @!p2 $0x3;
	s12 =	sadd.s32 @!p2 s1, s8;
	s1 =	simm.s32 @!p2 $0x0  }
0x108: {  	[tilespmem:s1], [sflag:$0x3] =	stream.linear.gather @!p2 [hbm4b:s12+s1], $0xFA0, $0x38;
	[tilespmem:$0x14350] =	vst v63  }
0x109: {  	_ =	swait.ge @!p2 [sflag:s15], $0xFA0  }
0x10a: {  	[sflag:s15] =	ssyncset.done @!p2 $0x0  }
0x10b: {  	s8 =	sadd.s32 @!p2 s2, s8;
	s12 =	simm.s32 @!p2 $0xFA0;
	[sflag:s15] =	ssyncadd.s32 @!p2 $0xFFFFF060  }
0x10c: {  	[tilespmem:s12], [sflag:$0x3] =	stream.linear.gather @!p2 [hbm4b:s8+s1], $0xFA0, $0x38;
	[tilespmem:$0x14350] =	vst v63  }
0x10d: {  	_ =	swait.ge @!p2 [sflag:s15], $0xFA0  }
0x10e: {  	[sflag:s15] =	ssyncset.done @!p2 $0x0  }
0x10f: {  	s8 =	simm.s32 @!p2 $0x1F40;
	[sflag:s15] =	ssyncadd.s32 @!p2 $0xFFFFF060  }
0x110: {  	[tilespmem:s8], [sflag:$0x1] =	stream.indirect.gather @!p2 [spmem:s3], $0x1, s1, s12, $0xb8;
	[tilespmem:$0x14350] =	vst v63  }
0x111: {  	s8 =	simm.s32 @!p2 $0x2EE0  }
0x112: {  	[tilespmem:s8], [sflag:$0x1] =	stream.indirect.gather @!p2 [spmem:s4], $0x1, s1, s12, $0xb8;
	[tilespmem:$0x14350] =	vst v63  }
0x113: {  	s8 =	simm.s32 @!p2 $0x3E80  }
0x114: {  	[tilespmem:s8], [sflag:$0x1] =	stream.indirect.gather @!p2 [spmem:s5], $0x1, s1, s12, $0xb8;
	[tilespmem:$0x14350] =	vst v63  }
0x115: {  	s1 =	simm.s32 @!p2 $0x4E20  }
0x116: {  	[tilespmem:s1], [sflag:$0x1] =	stream.indirect.gather @!p2 [spmem:s3], $0x1, s12, s12, $0xb8;
	[tilespmem:$0x14350] =	vst v63  }
0x117: {  	s1 =	simm.s32 @!p2 $0x5DC0  }
0x118: {  	[tilespmem:s1], [sflag:$0x1] =	stream.indirect.gather @!p2 [spmem:s4], $0x1, s12, s12, $0xb8;
	[tilespmem:$0x14350] =	vst v63  }
0x119: {  	s1 =	simm.s32 @!p2 $0x6D60  }
0x11a: {  	[tilespmem:s1], [sflag:$0x1] =	stream.indirect.gather @!p2 [spmem:s5], $0x1, s12, s12, $0xb8;
	[tilespmem:$0x14350] =	vst v63  }
0x11b: {  	_ =	swait.ge [sflag:s11], $0xFA0  }
0x11c: {  	[sflag:s11] =	ssyncset.done $0x0  }
0x11d: {  	[sflag:s11] =	ssyncadd.s32 $0xFFFFF060  }
0x11e: {  	_ =	swait.ge [sflag:s11], $0xFA0  }
0x11f: {  	[sflag:s11] =	ssyncset.done $0x0  }
0x120: {  	[sflag:s11] =	ssyncadd.s32 $0xFFFFF060  }
0x121: {  	_ =	swait.ge [sflag:s11], $0xFA0  }
0x122: {  	[sflag:s11] =	ssyncset.done $0x0  }
0x123: {  	[sflag:s11] =	ssyncadd.s32 $0xFFFFF060  }
0x124: {  	_ =	swait.ge [sflag:s11], $0xFA0  }
0x125: {  	[sflag:s11] =	ssyncset.done $0x0  }
0x126: {  	[sflag:s11] =	ssyncadd.s32 $0xFFFFF060  }
0x127: {  	_ =	swait.ge [sflag:s11], $0xFA0  }
0x128: {  	[sflag:s11] =	ssyncset.done $0x0  }
0x129: {  	[sflag:s11] =	ssyncadd.s32 $0xFFFFF060  }
0x12a: {  	_ =	swait.ge [sflag:s11], $0xFA0  }
0x12b: {  	s8 =	rddreg [dreg:$0xc];
	[sflag:s11] =	ssyncset.done $0x0  }
0x12c: {  	[sflag:s11] =	ssyncadd.s32 $0xFFFFF060;
	s1 =	sadd.s32 s13, s8  }
0x12d: {  	[hbm4b:s1+s7] =	stream.linear.scatter [tilespmem:s29], [sflag:$0x3], $0xFA0, $0x38;
	[tilespmem:$0x14350] =	vst v63  }
0x12e: {  	_ =	swait.ge [sflag:s18], $0xFA0  }
0x12f: {  	s12 =	rddreg [dreg:$0xb];
	[sflag:s18] =	ssyncset.done $0x0  }
0x130: {  	[sflag:s18] =	ssyncadd.s32 $0xFFFFF060;
	s1 =	sadd.s32 s13, s12  }
0x131: {  	[hbm4b:s1+s7] =	stream.linear.scatter [tilespmem:s30], [sflag:$0x3], $0xFA0, $0x38;
	[tilespmem:$0x14350] =	vst v63  }
0x132: {  	_ =	swait.ge [sflag:s18], $0xFA0  }
0x133: {  	s15 =	rddreg [dreg:$0xa];
	[sflag:s18] =	ssyncset.done $0x0  }
0x134: {  	[sflag:s18] =	ssyncadd.s32 $0xFFFFF060;
	s1 =	sadd.s32 s13, s15  }
0x135: {  	[hbm4b:s1+s7] =	stream.linear.scatter [tilespmem:s31], [sflag:$0x3], $0xFA0, $0x38;
	[tilespmem:$0x14350] =	vst v63  }
0x136: {  	_ =	swait.ge [sflag:s18], $0xFA0  }
0x137: {  	s8 =	rddreg [dreg:$0x9];
	[sflag:s18] =	ssyncset.done $0x0  }
0x138: {  	[sflag:s18] =	ssyncadd.s32 $0xFFFFF060;
	s1 =	sadd.s32 s13, s8  }
0x139: {  	[hbm4b:s1+s7] =	stream.linear.scatter [tilespmem:s0], [sflag:$0x3], $0xFA0, $0x38;
	[tilespmem:$0x14350] =	vst v63  }
0x13a: {  	_ =	swait.ge [sflag:s18], $0xFA0  }
0x13b: {  	s17 =	smov.u32 s16;
	s12 =	rddreg [dreg:$0x8];
	[sflag:s18] =	ssyncset.done $0x0  }
0x13c: {  	s16 =	sadd.s32 $0x3E8, s16;
	[sflag:s18] =	ssyncadd.s32 $0xFFFFF060;
	s1 =	sadd.s32 s13, s12  }
0x13d: {  	[hbm4b:s1+s7] =	stream.linear.scatter [tilespmem:s6], [sflag:$0x3], $0xFA0, $0x38;
	[tilespmem:$0x14350] =	vst v63  }
0x13e: {  	p1 =	sne.s32 s16, $0x61A8;
	_ =	swait.ge [sflag:s18], $0xFA0  }
.Ltmp0:
0x13f: {  	s15 =	rddreg [dreg:$0x7];
	[sflag:s18] =	ssyncset.done $0x0;
	(pc) =	sbr.rel @p1 .LBB2_2-.Ltmp0, $4  }
0x140: {  	[sflag:s18] =	ssyncadd.s32 $0xFFFFF060;
	s1 =	sadd.s32 s13, s15  }
0x141: {  	[hbm4b:s1+s7] =	stream.linear.scatter [tilespmem:s9], [sflag:$0x3], $0xFA0, $0x38;
	[tilespmem:$0x14350] =	vst v63  }
0x142: {  	_ =	swait.ge [sflag:s18], $0xFA0  }
0x143: {  	s13 =	smov.u32 s17;
	s8 =	rddreg [dreg:$0xe];
	[sflag:s18] =	ssyncset.done $0x0  }
0x144: {  	[sflag:s18] =	ssyncadd.s32 $0xFFFFF060;
	s1 =	sadd.s32 s13, s8  }
0x145: {  	[tilespmem:s26], [sflag:$0x3] =	stream.linear.gather [hbm4b:s1+s7], $0xFA0, $0x38;
	[tilespmem:$0x14350] =	vst v63  }
0x146: {  	_ =	swait.ge [sflag:s18], $0xFA0  }
0x147: {  	s12 =	rddreg [dreg:$0xd];
	[sflag:s18] =	ssyncset.done $0x0  }
0x148: {  	[sflag:s18] =	ssyncadd.s32 $0xFFFFF060;
	s1 =	sadd.s32 s13, s12  }
0x149: {  	[tilespmem:s28], [sflag:$0x3] =	stream.linear.gather [hbm4b:s1+s7], $0xFA0, $0x38;
	[tilespmem:$0x14350] =	vst v63  }
0x14a: {  	_ =	swait.ge [sflag:s18], $0xFA0  }
0x14b: {  	[sflag:s18] =	ssyncset.done $0x0  }
0x14c: {  	[sflag:s18] =	ssyncadd.s32 $0xFFFFF060  }
0x14d: {  	[tilespmem:s29], [sflag:$0x2] =	stream.indirect.gather [spmem:s3], $0x1, s26, s19, $0xb8;
	[tilespmem:$0x14350] =	vst v63  }
0x14e: {  	_ = 	snop  }
0x14f: {  	[tilespmem:s30], [sflag:$0x2] =	stream.indirect.gather [spmem:s4], $0x1, s26, s19, $0xb8;
	[tilespmem:$0x14350] =	vst v63  }
0x150: {  	_ = 	snop  }
0x151: {  	[tilespmem:s31], [sflag:$0x2] =	stream.indirect.gather [spmem:s5], $0x1, s26, s19, $0xb8;
	[tilespmem:$0x14350] =	vst v63  }
0x152: {  	_ = 	snop  }
0x153: {  	[tilespmem:s0], [sflag:$0x2] =	stream.indirect.gather [spmem:s3], $0x1, s28, s19, $0xb8;
	[tilespmem:$0x14350] =	vst v63  }
0x154: {  	_ = 	snop  }
0x155: {  	[tilespmem:s6], [sflag:$0x2] =	stream.indirect.gather [spmem:s4], $0x1, s28, s19, $0xb8;
	[tilespmem:$0x14350] =	vst v63  }
0x156: {  	_ = 	snop  }
0x157: {  	[tilespmem:s9], [sflag:$0x2] =	stream.indirect.gather [spmem:s5], $0x1, s28, s19, $0xb8;
	[tilespmem:$0x14350] =	vst v63  }
0x158: {  	_ =	swait.ge [sflag:s10], $0xFA0  }
0x159: {  	[sflag:s10] =	ssyncset.done $0x0  }
0x15a: {  	[sflag:s10] =	ssyncadd.s32 $0xFFFFF060  }
0x15b: {  	_ =	swait.ge [sflag:s10], $0xFA0  }
0x15c: {  	[sflag:s10] =	ssyncset.done $0x0  }
0x15d: {  	[sflag:s10] =	ssyncadd.s32 $0xFFFFF060  }
0x15e: {  	_ =	swait.ge [sflag:s10], $0xFA0  }
0x15f: {  	[sflag:s10] =	ssyncset.done $0x0  }
0x160: {  	[sflag:s10] =	ssyncadd.s32 $0xFFFFF060  }
0x161: {  	_ =	swait.ge [sflag:s10], $0xFA0  }
0x162: {  	[sflag:s10] =	ssyncset.done $0x0  }
0x163: {  	[sflag:s10] =	ssyncadd.s32 $0xFFFFF060  }
0x164: {  	_ =	swait.ge [sflag:s10], $0xFA0  }
0x165: {  	[sflag:s10] =	ssyncset.done $0x0  }
0x166: {  	[sflag:s10] =	ssyncadd.s32 $0xFFFFF060  }
0x167: {  	_ =	swait.ge [sflag:s10], $0xFA0  }
0x168: {  	s15 =	rddreg [dreg:$0x14];
	[sflag:s10] =	ssyncset.done $0x0  }
0x169: {  	[sflag:s10] =	ssyncadd.s32 $0xFFFFF060;
	s1 =	sadd.s32 s13, s15  }
0x16a: {  	[hbm4b:s1+s7] =	stream.linear.scatter [tilespmem:s20], [sflag:$0x3], $0xFA0, $0x38;
	[tilespmem:$0x14350] =	vst v63  }
0x16b: {  	_ =	swait.ge [sflag:s18], $0xFA0  }
0x16c: {  	s16 =	rddreg [dreg:$0x13];
	[sflag:s18] =	ssyncset.done $0x0  }
0x16d: {  	[sflag:s18] =	ssyncadd.s32 $0xFFFFF060;
	s1 =	sadd.s32 s13, s16  }
0x16e: {  	[hbm4b:s1+s7] =	stream.linear.scatter [tilespmem:s21], [sflag:$0x3], $0xFA0, $0x38;
	[tilespmem:$0x14350] =	vst v63  }
0x16f: {  	_ =	swait.ge [sflag:s18], $0xFA0  }
0x170: {  	s17 =	rddreg [dreg:$0x12];
	[sflag:s18] =	ssyncset.done $0x0  }
0x171: {  	[sflag:s18] =	ssyncadd.s32 $0xFFFFF060;
	s1 =	sadd.s32 s13, s17  }
0x172: {  	[hbm4b:s1+s7] =	stream.linear.scatter [tilespmem:s22], [sflag:$0x3], $0xFA0, $0x38;
	[tilespmem:$0x14350] =	vst v63  }
0x173: {  	_ =	swait.ge [sflag:s18], $0xFA0  }
0x174: {  	s8 =	rddreg [dreg:$0x11];
	[sflag:s18] =	ssyncset.done $0x0  }
0x175: {  	[sflag:s18] =	ssyncadd.s32 $0xFFFFF060;
	s1 =	sadd.s32 s13, s8  }
0x176: {  	[hbm4b:s1+s7] =	stream.linear.scatter [tilespmem:s23], [sflag:$0x3], $0xFA0, $0x38;
	[tilespmem:$0x14350] =	vst v63  }
0x177: {  	_ =	swait.ge [sflag:s18], $0xFA0  }
0x178: {  	s12 =	rddreg [dreg:$0x10];
	[sflag:s18] =	ssyncset.done $0x0  }
0x179: {  	[sflag:s18] =	ssyncadd.s32 $0xFFFFF060;
	s1 =	sadd.s32 s13, s12  }
0x17a: {  	[hbm4b:s1+s7] =	stream.linear.scatter [tilespmem:s24], [sflag:$0x3], $0xFA0, $0x38;
	[tilespmem:$0x14350] =	vst v63  }
0x17b: {  	_ =	swait.ge [sflag:s18], $0xFA0  }
0x17c: {  	s15 =	rddreg [dreg:$0xf];
	[sflag:s18] =	ssyncset.done $0x0  }
0x17d: {  	[sflag:s18] =	ssyncadd.s32 $0xFFFFF060;
	s1 =	sadd.s32 s13, s15  }
0x17e: {  	[hbm4b:s1+s7] =	stream.linear.scatter [tilespmem:s25], [sflag:$0x3], $0xFA0, $0x38;
	[tilespmem:$0x14350] =	vst v63  }
0x17f: {  	_ =	swait.ge [sflag:s18], $0xFA0  }
0x180: {  	[sflag:s18] =	ssyncset.done $0x0  }
0x181: {  	p1 =	seq.s32 s13, $0x5DC0;
	s1 =	sadd.s32 $0x1F40, s14;
	[sflag:s18] =	ssyncadd.s32 $0xFFFFF060  }
0x182: {  	s1 =	sshrl.u32 @!p1 s1, $0x3;
	s12 =	rddreg [dreg:$0x1]  }
0x183: {  	s8 =	simm.s32 @!p1 $0x3;
	s14 =	simm.s32 @!p1 $0x0;
	s12 =	sadd.s32 @!p1 s12, s1  }
0x184: {  	[tilespmem:s14], [sflag:$0x3] =	stream.linear.gather @!p1 [hbm4b:s12+s14], $0xFA0, $0x38;
	[tilespmem:$0x14350] =	vst v63  }
0x185: {  	_ =	swait.ge @!p1 [sflag:s8], $0xFA0  }
0x186: {  	[sflag:s8] =	ssyncset.done @!p1 $0x0  }
0x187: {  	s1 =	sadd.s32 @!p1 s2, s1;
	s12 =	simm.s32 @!p1 $0xFA0;
	[sflag:s8] =	ssyncadd.s32 @!p1 $0xFFFFF060  }
0x188: {  	[tilespmem:s12], [sflag:$0x3] =	stream.linear.gather @!p1 [hbm4b:s1+s14], $0xFA0, $0x38;
	[tilespmem:$0x14350] =	vst v63  }
0x189: {  	_ =	swait.ge @!p1 [sflag:s8], $0xFA0  }
0x18a: {  	[sflag:s8] =	ssyncset.done @!p1 $0x0  }
0x18b: {  	s1 =	simm.s32 @!p1 $0x1F40;
	[sflag:s8] =	ssyncadd.s32 @!p1 $0xFFFFF060  }
0x18c: {  	[tilespmem:s1], [sflag:$0x1] =	stream.indirect.gather @!p1 [spmem:s3], $0x1, s14, s12, $0xb8;
	[tilespmem:$0x14350] =	vst v63  }
0x18d: {  	s1 =	simm.s32 @!p1 $0x2EE0  }
0x18e: {  	[tilespmem:s1], [sflag:$0x1] =	stream.indirect.gather @!p1 [spmem:s4], $0x1, s14, s12, $0xb8;
	[tilespmem:$0x14350] =	vst v63  }
0x18f: {  	s1 =	simm.s32 @!p1 $0x3E80  }
0x190: {  	[tilespmem:s1], [sflag:$0x1] =	stream.indirect.gather @!p1 [spmem:s5], $0x1, s14, s12, $0xb8;
	[tilespmem:$0x14350] =	vst v63  }
0x191: {  	s1 =	simm.s32 @!p1 $0x4E20  }
0x192: {  	[tilespmem:s1], [sflag:$0x1] =	stream.indirect.gather @!p1 [spmem:s3], $0x1, s12, s12, $0xb8;
	[tilespmem:$0x14350] =	vst v63  }
0x193: {  	s1 =	simm.s32 @!p1 $0x5DC0  }
0x194: {  	[tilespmem:s1], [sflag:$0x1] =	stream.indirect.gather @!p1 [spmem:s4], $0x1, s12, s12, $0xb8;
	[tilespmem:$0x14350] =	vst v63  }
0x195: {  	s1 =	simm.s32 @!p1 $0x6D60  }
0x196: {  	[tilespmem:s1], [sflag:$0x1] =	stream.indirect.gather @!p1 [spmem:s5], $0x1, s12, s12, $0xb8;
	[tilespmem:$0x14350] =	vst v63  }
0x197: {  	_ =	swait.ge [sflag:s11], $0xFA0  }
0x198: {  	[sflag:s11] =	ssyncset.done $0x0  }
0x199: {  	[sflag:s11] =	ssyncadd.s32 $0xFFFFF060  }
0x19a: {  	_ =	swait.ge [sflag:s11], $0xFA0  }
0x19b: {  	[sflag:s11] =	ssyncset.done $0x0  }
0x19c: {  	[sflag:s11] =	ssyncadd.s32 $0xFFFFF060  }
0x19d: {  	_ =	swait.ge [sflag:s11], $0xFA0  }
0x19e: {  	[sflag:s11] =	ssyncset.done $0x0  }
0x19f: {  	[sflag:s11] =	ssyncadd.s32 $0xFFFFF060  }
0x1a0: {  	_ =	swait.ge [sflag:s11], $0xFA0  }
0x1a1: {  	[sflag:s11] =	ssyncset.done $0x0  }
0x1a2: {  	[sflag:s11] =	ssyncadd.s32 $0xFFFFF060  }
0x1a3: {  	_ =	swait.ge [sflag:s11], $0xFA0  }
0x1a4: {  	[sflag:s11] =	ssyncset.done $0x0  }
0x1a5: {  	[sflag:s11] =	ssyncadd.s32 $0xFFFFF060  }
0x1a6: {  	_ =	swait.ge [sflag:s11], $0xFA0  }
0x1a7: {  	s16 =	rddreg [dreg:$0xc];
	[sflag:s11] =	ssyncset.done $0x0  }
0x1a8: {  	[sflag:s11] =	ssyncadd.s32 $0xFFFFF060;
	s1 =	sadd.s32 s13, s16  }
0x1a9: {  	[hbm4b:s1+s7] =	stream.linear.scatter [tilespmem:s29], [sflag:$0x3], $0xFA0, $0x38;
	[tilespmem:$0x14350] =	vst v63  }
0x1aa: {  	_ =	swait.ge [sflag:s18], $0xFA0  }
0x1ab: {  	s17 =	rddreg [dreg:$0xb];
	[sflag:s18] =	ssyncset.done $0x0  }
0x1ac: {  	[sflag:s18] =	ssyncadd.s32 $0xFFFFF060;
	s1 =	sadd.s32 s13, s17  }
0x1ad: {  	[hbm4b:s1+s7] =	stream.linear.scatter [tilespmem:s30], [sflag:$0x3], $0xFA0, $0x38;
	[tilespmem:$0x14350] =	vst v63  }
0x1ae: {  	_ =	swait.ge [sflag:s18], $0xFA0  }
0x1af: {  	s8 =	rddreg [dreg:$0xa];
	[sflag:s18] =	ssyncset.done $0x0  }
0x1b0: {  	[sflag:s18] =	ssyncadd.s32 $0xFFFFF060;
	s1 =	sadd.s32 s13, s8  }
0x1b1: {  	[hbm4b:s1+s7] =	stream.linear.scatter [tilespmem:s31], [sflag:$0x3], $0xFA0, $0x38;
	[tilespmem:$0x14350] =	vst v63  }
0x1b2: {  	_ =	swait.ge [sflag:s18], $0xFA0  }
0x1b3: {  	s12 =	rddreg [dreg:$0x9];
	[sflag:s18] =	ssyncset.done $0x0  }
0x1b4: {  	[sflag:s18] =	ssyncadd.s32 $0xFFFFF060;
	s1 =	sadd.s32 s13, s12  }
0x1b5: {  	[hbm4b:s1+s7] =	stream.linear.scatter [tilespmem:s0], [sflag:$0x3], $0xFA0, $0x38;
	[tilespmem:$0x14350] =	vst v63  }
0x1b6: {  	_ =	swait.ge [sflag:s18], $0xFA0  }
0x1b7: {  	s14 =	rddreg [dreg:$0x8];
	[sflag:s18] =	ssyncset.done $0x0  }
0x1b8: {  	[sflag:s18] =	ssyncadd.s32 $0xFFFFF060;
	s1 =	sadd.s32 s13, s14  }
0x1b9: {  	[hbm4b:s1+s7] =	stream.linear.scatter [tilespmem:s6], [sflag:$0x3], $0xFA0, $0x38;
	[tilespmem:$0x14350] =	vst v63  }
0x1ba: {  	_ =	swait.ge [sflag:s18], $0xFA0  }
0x1bb: {  	s15 =	rddreg [dreg:$0x7];
	[sflag:s18] =	ssyncset.done $0x0  }
0x1bc: {  	s1 =	sadd.s32 s13, s15;
	[sflag:s18] =	ssyncadd.s32 $0xFFFFF060  }
0x1bd: {  	[hbm4b:s1+s7] =	stream.linear.scatter [tilespmem:s9], [sflag:$0x3], $0xFA0, $0x38;
	[tilespmem:$0x14350] =	vst v63  }
0x1be: {  	_ =	swait.ge [sflag:s18], $0xFA0  }
0x1bf: {  	s16 =	rddreg [dreg:$0x1f]  }
0x1c0: {  	s17 =	rddreg [dreg:$0x1a];
	s8 =	sadd.s32 $0x1, s16  }
0x1c1: {  	p1 =	sne.s32 s8, s17  }
.Ltmp1:
0x1c2: {  	_ = 	snop;
	(pc) =	sbr.rel @p1 .LBB2_1-.Ltmp1, $3  }
0x1c3: {  	_ =	sdelay $0x1  }
0x1c4: {  	[sflag:s18] =	ssyncset.done $0x0  }
0x1c5: {  	[sflag:s18] =	ssyncadd.s32 $0xFFFFF060  }
0x1c6: {  	_ =	sfence.sel $0x180000  }
0x1c7: {  	[bflag:$0x0] =	sbarrier.arrive $0xFFFF  }
0x1c8: {  	_ =	strace $0x90000047  }
0x1c9: {  	s0 =	stileid.u32;
	[bflag:$0x2] =	sbarrier.arrive $0xFFFF  }
0x1ca: {  	p0 =	sne.s32 s0, $0x0;
	s0 =	rddreg [dreg:$0x6]  }
0x1cb: {  	s0 =	sadd.s32 @!p0 $0x100000, s0  }
0x1cc: {  	[sflag:s0] =	ssyncadd.tile.s32 @!p0 $0x1;
	_ =	shalt  }
.Lfunc_end2:
_tile_overlayer_lowered:
.L_overlay_start_2:
0x1cd: {  	(tag) =	ssettag $0x2  }
0x1ce: {  	s0 =	rddreg [dreg:$0x0];
	s2 =	stileid.u32  }
0x1cf: {  	s1 =	rddreg [dreg:$0x1];
	p0 =	sne.s32 s2, $0x0  }
0x1d0: {  	s3 =	rddreg [dreg:$0x2];
	[bflag:$0x3] =	sbarrier.arrive $0xFFFF;
	s2 =	simm.s32 @!p0 $0x1C03  }
0x1d1: {  	[timem:s3], [sflag:s2] =	dma.local @!p0 [hbm:s0], s1  }
0x1d2: {  	s0 =	simm.s32 @!p0 $0x3  }
0x1d3: {  	_ =	swait.ge @!p0 [sflag:s0], s1  }
0x1d4: {  	s1 =	ssub.s32 @!p0 $0x0, s1;
	[sflag:s0] =	ssyncset.done @!p0 $0x0  }
0x1d5: {  	[sflag:s0] =	ssyncadd.s32 @!p0 s1  }
0x1d6: {  	[bflag:$0x3] =	sbarrier.arrive $0xFFFF  }
0x1d7: {  	_ =	shalt  }

</sc_bundles>
